<compile_context>
chip_gen: v7x
topology: tpu7x:2x2x1
jax: 0.10.2.dev20260603
libtpu: 0.0.44.dev20260713+nightly
codegen_flags: <defaults>
</compile_context>

<pallas_src>
import functools

import jax
import jax.numpy as jnp
from jax import lax
from jax.experimental import pallas as pl
from jax.experimental.pallas import tpu as pltpu
from jax.experimental.pallas import tpu_sc as plsc

P = 50
PPAD = 56
PA = 48
D = 512
B = 4096
NW = 32
B_PER_W = B // NW
NBUF = 4
NITER = B_PER_W // NBUF
BB = 256


def _build_table_tc(inp_ref, emb_ref, pos_ref, t_ref, idx_ref):
    emb = emb_ref[...]
    pos = pos_ref[...]
    t_ref[...] = pos[:, None, :] + emb[None, :, :]
    inp_pad = jnp.concatenate(
        [inp_ref[...], jnp.zeros((B, PPAD - P), jnp.int32)], axis=1)
    j = lax.broadcasted_iota(jnp.int32, (B, PPAD), 1)
    idx_ref[...] = jnp.where(j < P, inp_pad + P * j, 0)


def _sc_gather(t_hbm, idx_hbm, out_hbm, idx_v, bufs, gsems, ssems):
    wid = lax.axis_index("s") * 2 + lax.axis_index("c")
    b0 = wid * B_PER_W
    pltpu.sync_copy(idx_hbm.at[pl.ds(b0 * PPAD, B_PER_W * PPAD)], idx_v)

    def gather(bl, slot):
        off = pl.multiple_of(bl * PPAD, PPAD)
        return pltpu.make_async_copy(
            t_hbm.at[idx_v.at[pl.ds(off, PA)]], bufs[slot], gsems[slot])

    def store(bl, slot):
        return pltpu.make_async_copy(
            bufs[slot], out_hbm.at[b0 + bl, pl.ds(0, PA)], ssems[slot])

    gather(0, 0).start()

    def body(g, carry):
        c0 = NBUF * g
        for j in range(NBUF):
            c = c0 + j
            nslot = (j + 1) % NBUF
            if j < NBUF - 1:
                @pl.when(g > 0)
                def _():
                    store(c + 1 - NBUF, nslot).wait()
                gather(c + 1, nslot).start()
            else:
                @pl.when(g < NITER - 1)
                def _():
                    store(c + 1 - NBUF, nslot).wait()
                    gather(c + 1, nslot).start()
            gather(c, j).wait()
            store(c, j).start()
        return carry

    lax.fori_loop(0, NITER, body, 0)
    for j in range(NBUF):
        store(B_PER_W - NBUF + j, j).wait()


def _fix_tail_tc(inp_ref, t_ref, prev_ref, out_ref, scr_ref, sem):
    inp = inp_ref[...]
    t48 = t_ref[pl.ds(PA * P, P), :]
    t49 = t_ref[pl.ds((PA + 1) * P, P), :]
    iota = lax.broadcasted_iota(jnp.int32, (BB, P), 1)
    oh48 = (inp[:, 48:49] == iota).astype(jnp.float32)
    oh49 = (inp[:, 49:50] == iota).astype(jnp.float32)
    scr_ref[:, 0, :] = jnp.dot(oh48, t48, preferred_element_type=jnp.float32,
                               precision=lax.Precision.HIGHEST)
    scr_ref[:, 1, :] = jnp.dot(oh49, t49, preferred_element_type=jnp.float32,
                               precision=lax.Precision.HIGHEST)
    i = pl.program_id(0)
    pltpu.make_async_copy(
        scr_ref, out_ref.at[pl.ds(i * BB, BB), pl.ds(PA, P - PA)], sem
    ).start()
    pltpu.make_async_copy(
        scr_ref, out_ref.at[pl.ds(i * BB, BB), pl.ds(PA, P - PA)], sem
    ).wait()


def kernel(input, embedding, pos_embedding):
    t, idx = pl.pallas_call(
        _build_table_tc,
        out_shape=(
            jax.ShapeDtypeStruct((P, P, D), jnp.float32),
            jax.ShapeDtypeStruct((B, PPAD), jnp.int32),
        ),
    )(input.astype(jnp.int32), embedding, pos_embedding)

    t = t.reshape(P * P, D)
    idx_flat = idx.reshape(B * PPAD)

    sc = functools.partial(
        pl.kernel,
        out_type=jax.ShapeDtypeStruct((B, P, D), jnp.float32),
        mesh=plsc.VectorSubcoreMesh(
            core_axis_name="c", subcore_axis_name="s",
            num_cores=2, num_subcores=16),
        scratch_types=[
            pltpu.VMEM((B_PER_W * PPAD,), jnp.int32),
            tuple(pltpu.VMEM((PA, D), jnp.float32) for _ in range(NBUF)),
            tuple(pltpu.SemaphoreType.DMA for _ in range(NBUF)),
            tuple(pltpu.SemaphoreType.DMA for _ in range(NBUF)),
        ],
    )(_sc_gather)

    res = sc(t, idx_flat)

    out = pl.pallas_call(
        _fix_tail_tc,
        grid=(B // BB,),
        in_specs=[
            pl.BlockSpec((BB, P), lambda i: (i, 0)),
            pl.BlockSpec((P * P, D), lambda i: (0, 0)),
            pl.BlockSpec(memory_space=pltpu.HBM),
        ],
        out_specs=pl.BlockSpec(memory_space=pltpu.HBM),
        out_shape=jax.ShapeDtypeStruct((B, P, D), jnp.float32),
        scratch_shapes=[
            pltpu.VMEM((BB, P - PA, D), jnp.float32),
            pltpu.SemaphoreType.DMA,
        ],
        input_output_aliases={2: 0},
    )(input.astype(jnp.int32), t, res)
    return out

# --- scband reference (transcript-rebuilt; emitter-appended) ---
"""Pipeline reference for scband-text-prompt-encoder-14748917695083 (READ-ONLY COPY).

The authoritative reference and input builder live on the scoring server;
editing this copy changes nothing except your own understanding.
"""

import jax, jax.numpy as jnp
import numpy as np

PROMPT_LEN = 50
HID_DIM = 512
BATCH = 4096

def setup_inputs(seed: int = 0) -> dict:
    key = jax.random.key(seed)
    k1, k2, k3 = jax.random.split(key, 3)
    inp = jax.random.randint(k1, (BATCH, PROMPT_LEN), 0, PROMPT_LEN, dtype=jnp.int64 if jax.config.jax_enable_x64 else jnp.int32)
    embedding = jax.random.normal(k2, (PROMPT_LEN, HID_DIM), dtype=jnp.float32)
    pos_embedding = jax.random.normal(k3, (PROMPT_LEN, HID_DIM), dtype=jnp.float32)
    return {"input": inp, "embedding": embedding, "pos_embedding": pos_embedding}

def reference(input, embedding, pos_embedding):
    # input: int[B, prompt_len]
    input_embed = jnp.take(embedding, input, axis=0)  # [B, prompt_len, hid_dim]
    output_embed = input_embed + pos_embedding[None, :, :]
    return output_embed

if __name__ == "__main__":
    import jax
    _d = setup_inputs()
    print(jax.jit(kernel)(*tuple(_d.values())))

</pallas_src>

<mosaic_0001>
#map = affine_map<(d0, d1) -> (0, 0)>
#map1 = affine_map<(d0, d1) -> (0)>
#map2 = affine_map<(d0, d1) -> (0, 0, 0)>
module attributes {stable_mosaic.version = 14 : i64} {
  func.func @_sc_gather(%arg0: i32, %arg1: i32, %arg2: memref<2500x512xf32, #tpu.memory_space<hbm>>, %arg3: memref<229376xi32, #tpu.memory_space<hbm>>, %arg4: memref<4096x50x512xf32, #tpu.memory_space<hbm>>, %arg5: memref<7168xi32, #tpu.memory_space<vmem>>, %arg6: memref<48x512xf32, #tpu.memory_space<vmem>>, %arg7: memref<48x512xf32, #tpu.memory_space<vmem>>, %arg8: memref<48x512xf32, #tpu.memory_space<vmem>>, %arg9: memref<48x512xf32, #tpu.memory_space<vmem>>, %arg10: memref<!tpu.dma_semaphore, #tpu.memory_space<semaphore_mem>>, %arg11: memref<!tpu.dma_semaphore, #tpu.memory_space<semaphore_mem>>, %arg12: memref<!tpu.dma_semaphore, #tpu.memory_space<semaphore_mem>>, %arg13: memref<!tpu.dma_semaphore, #tpu.memory_space<semaphore_mem>>, %arg14: memref<!tpu.dma_semaphore, #tpu.memory_space<semaphore_mem>>, %arg15: memref<!tpu.dma_semaphore, #tpu.memory_space<semaphore_mem>>, %arg16: memref<!tpu.dma_semaphore, #tpu.memory_space<semaphore_mem>>, %arg17: memref<!tpu.dma_semaphore, #tpu.memory_space<semaphore_mem>>) attributes {dimension_semantics = [#tpu.dimension_semantics<core_parallel>, #tpu.dimension_semantics<subcore_parallel>], iteration_bounds = array<i64: 2, 16>, scalar_prefetch = 0 : i64, scratch_operands = 13 : i64, tpu.core_type = #tpu.core_type<sc_vector_subcore>, window_params = [{transform_indices = #map}, {transform_indices = #map1}, {transform_indices = #map2}]} {
    %mul3A = arith.constant 2 : i32
    %mul3A_0 = arith.muli %arg1, %mul3A : i32
    %add3A = arith.addi %mul3A_0, %arg0 : i32
    %mul3A_1 = arith.constant 128 : i32
    %mul3A_2 = arith.muli %add3A, %mul3A_1 : i32
    %mul3A_3 = arith.constant 56 : i32
    %mul3A_4 = arith.muli %mul3A_2, %mul3A_3 : i32
    "tpu.region"() ({
      %run_scoped3A = tpu.sem_alloc : memref<!tpu.dma_semaphore, #tpu.memory_space<semaphore_mem>>
      %dma_start3A_53 = tpu.memref_slice %arg3[%mul3A_4] : memref<229376xi32, #tpu.memory_space<hbm>> -> memref<7168xi32, #tpu.memory_space<hbm>>
      %dma_start3A_54 = tpu.memref_slice %arg3[%mul3A_4] : memref<229376xi32, #tpu.memory_space<hbm>> -> memref<7168xi32, #tpu.memory_space<hbm>>
      tpu.enqueue_dma source(%dma_start3A_54 : memref<7168xi32, #tpu.memory_space<hbm>>) target(%arg5 : memref<7168xi32, #tpu.memory_space<vmem>>) target_semaphore(%run_scoped3A : memref<!tpu.dma_semaphore, #tpu.memory_space<semaphore_mem>>)
      %dma_wait3A_55 = tpu.memref_slice %arg3[%mul3A_4] : memref<229376xi32, #tpu.memory_space<hbm>> -> memref<7168xi32, #tpu.memory_space<hbm>>
      %dma_wait3A_56 = tpu.memref_slice %arg3[%mul3A_4] : memref<229376xi32, #tpu.memory_space<hbm>> -> memref<7168xi32, #tpu.memory_space<hbm>>
      tpu.wait_dma2 semaphore(%run_scoped3A : memref<!tpu.dma_semaphore, #tpu.memory_space<semaphore_mem>>) src(%dma_wait3A_56 : memref<7168xi32, #tpu.memory_space<hbm>>) dst(%arg5 : memref<7168xi32, #tpu.memory_space<vmem>>)
      tpu.yield
    }) : () -> ()
    %multiple_of3A = arith.constant 0 : i32
    %multiple_of3A_5 = tpu.assume_multiple %multiple_of3A, 56 : i32
    %dma_start3A = tpu.memref_slice %arg5[%multiple_of3A_5] : memref<7168xi32, #tpu.memory_space<vmem>> -> memref<48xi32, #tpu.memory_space<vmem>>
    %dma_start3A_6 = arith.constant 0 : i32
    %dma_start3A_7 = arith.constant 0 : i32
    %dma_start3A_8 = tpu.memref_slice %arg2[%dma_start3A_6, %dma_start3A_7] : memref<2500x512xf32, #tpu.memory_space<hbm>> -> memref<2500x512xf32, #tpu.memory_space<hbm>>
    tpu.enqueue_indirect_dma source(%dma_start3A_8 : memref<2500x512xf32, #tpu.memory_space<hbm>>) target(%arg6 : memref<48x512xf32, #tpu.memory_space<vmem>>) offsets(%dma_start3A : memref<48xi32, #tpu.memory_space<vmem>>) semaphore(%arg10 : memref<!tpu.dma_semaphore, #tpu.memory_space<semaphore_mem>>)
    %scan3A = arith.constant 0 : i32
    %scan3A_9 = arith.constant 0 : i32
    %scan3A_10 = arith.constant 32 : i32
    %scan3A_11 = arith.addi %scan3A_9, %scan3A_10 : i32
    %scan3A_12 = arith.constant 1 : i32
    scf.for %scan3A_53 = %scan3A_9 to %scan3A_11 step %scan3A_12  : i32 {
      %mul3A_54 = arith.constant 4 : i32
      %mul3A_55 = arith.muli %mul3A_54, %scan3A_53 : i32
      %add3A_56 = arith.constant 0 : i32
      %add3A_57 = arith.addi %mul3A_55, %add3A_56 : i32
      %gt3A = arith.constant 0 : i32
      %gt3A_58 = arith.cmpi sgt, %scan3A_53, %gt3A : i32
      %convert_element_type3A = arith.extui %gt3A_58 : i1 to i32
      %cond3A = arith.constant 0 : i32
      %cond3A_59 = arith.cmpi ne, %convert_element_type3A, %cond3A : i32
      scf.if %cond3A_59 {
        %add3A_171 = arith.constant 1 : i32
        %add3A_172 = arith.addi %add3A_57, %add3A_171 : i32
        %sub3A = arith.constant 4 : i32
        %sub3A_173 = arith.subi %add3A_172, %sub3A : i32
        %add3A_174 = arith.addi %mul3A_2, %sub3A_173 : i32
        %dma_wait3A_175 = arith.constant 0 : i32
        %dma_wait3A_176 = arith.constant 0 : i32
        %dma_wait3A_177 = tpu.memref_slice %arg4[%add3A_174, %dma_wait3A_175, %dma_wait3A_176] : memref<4096x50x512xf32, #tpu.memory_space<hbm>> -> memref<1x48x512xf32, #tpu.memory_space<hbm>>
        %dma_wait3A_178 = tpu.memref_squeeze %dma_wait3A_177 : memref<1x48x512xf32, #tpu.memory_space<hbm>> -> memref<48x512xf32, #tpu.memory_space<hbm>>
        %dma_wait3A_179 = arith.constant 0 : i32
        %dma_wait3A_180 = arith.constant 0 : i32
        %dma_wait3A_181 = tpu.memref_slice %arg4[%add3A_174, %dma_wait3A_179, %dma_wait3A_180] : memref<4096x50x512xf32, #tpu.memory_space<hbm>> -> memref<1x48x512xf32, #tpu.memory_space<hbm>>
        %dma_wait3A_182 = tpu.memref_squeeze %dma_wait3A_181 : memref<1x48x512xf32, #tpu.memory_space<hbm>> -> memref<48x512xf32, #tpu.memory_space<hbm>>
        tpu.wait_dma2 semaphore(%arg15 : memref<!tpu.dma_semaphore, #tpu.memory_space<semaphore_mem>>) src(%arg7 : memref<48x512xf32, #tpu.memory_space<vmem>>) dst(%dma_wait3A_182 : memref<48x512xf32, #tpu.memory_space<hbm>>)
      } else {
      }
      %add3A_60 = arith.constant 1 : i32
      %add3A_61 = arith.addi %add3A_57, %add3A_60 : i32
      %mul3A_62 = arith.constant 56 : i32
      %mul3A_63 = arith.muli %add3A_61, %mul3A_62 : i32
      %multiple_of3A_64 = tpu.assume_multiple %mul3A_63, 56 : i32
      %dma_start3A_65 = tpu.memref_slice %arg5[%multiple_of3A_64] : memref<7168xi32, #tpu.memory_space<vmem>> -> memref<48xi32, #tpu.memory_space<vmem>>
      %dma_start3A_66 = arith.constant 0 : i32
      %dma_start3A_67 = arith.constant 0 : i32
      %dma_start3A_68 = tpu.memref_slice %arg2[%dma_start3A_66, %dma_start3A_67] : memref<2500x512xf32, #tpu.memory_space<hbm>> -> memref<2500x512xf32, #tpu.memory_space<hbm>>
      tpu.enqueue_indirect_dma source(%dma_start3A_68 : memref<2500x512xf32, #tpu.memory_space<hbm>>) target(%arg7 : memref<48x512xf32, #tpu.memory_space<vmem>>) offsets(%dma_start3A_65 : memref<48xi32, #tpu.memory_space<vmem>>) semaphore(%arg11 : memref<!tpu.dma_semaphore, #tpu.memory_space<semaphore_mem>>)
      %mul3A_69 = arith.constant 56 : i32
      %mul3A_70 = arith.muli %add3A_57, %mul3A_69 : i32
      %multiple_of3A_71 = tpu.assume_multiple %mul3A_70, 56 : i32
      %dma_wait3A_72 = tpu.memref_slice %arg5[%multiple_of3A_71] : memref<7168xi32, #tpu.memory_space<vmem>> -> memref<48xi32, #tpu.memory_space<vmem>>
      %dma_wait3A_73 = arith.constant 0 : i32
      %dma_wait3A_74 = arith.constant 0 : i32
      %dma_wait3A_75 = tpu.memref_slice %arg2[%dma_wait3A_73, %dma_wait3A_74] : memref<2500x512xf32, #tpu.memory_space<hbm>> -> memref<2500x512xf32, #tpu.memory_space<hbm>>
      tpu.wait_indirect_dma semaphore(%arg10 : memref<!tpu.dma_semaphore, #tpu.memory_space<semaphore_mem>>) src(%dma_wait3A_75 : memref<2500x512xf32, #tpu.memory_space<hbm>>) dst(%arg6 : memref<48x512xf32, #tpu.memory_space<vmem>>)
      %add3A_76 = arith.addi %mul3A_2, %add3A_57 : i32
      %dma_start3A_77 = arith.constant 0 : i32
      %dma_start3A_78 = arith.constant 0 : i32
      %dma_start3A_79 = tpu.memref_slice %arg4[%add3A_76, %dma_start3A_77, %dma_start3A_78] : memref<4096x50x512xf32, #tpu.memory_space<hbm>> -> memref<1x48x512xf32, #tpu.memory_space<hbm>>
      %dma_start3A_80 = tpu.memref_squeeze %dma_start3A_79 : memref<1x48x512xf32, #tpu.memory_space<hbm>> -> memref<48x512xf32, #tpu.memory_space<hbm>>
      %dma_start3A_81 = arith.constant 0 : i32
      %dma_start3A_82 = arith.constant 0 : i32
      %dma_start3A_83 = tpu.memref_slice %arg4[%add3A_76, %dma_start3A_81, %dma_start3A_82] : memref<4096x50x512xf32, #tpu.memory_space<hbm>> -> memref<1x48x512xf32, #tpu.memory_space<hbm>>
      %dma_start3A_84 = tpu.memref_squeeze %dma_start3A_83 : memref<1x48x512xf32, #tpu.memory_space<hbm>> -> memref<48x512xf32, #tpu.memory_space<hbm>>
      tpu.enqueue_dma source(%arg6 : memref<48x512xf32, #tpu.memory_space<vmem>>) target(%dma_start3A_84 : memref<48x512xf32, #tpu.memory_space<hbm>>) target_semaphore(%arg14 : memref<!tpu.dma_semaphore, #tpu.memory_space<semaphore_mem>>)
      %add3A_85 = arith.constant 1 : i32
      %add3A_86 = arith.addi %mul3A_55, %add3A_85 : i32
      %gt3A_87 = arith.constant 0 : i32
      %gt3A_88 = arith.cmpi sgt, %scan3A_53, %gt3A_87 : i32
      %convert_element_type3A_89 = arith.extui %gt3A_88 : i1 to i32
      %cond3A_90 = arith.constant 0 : i32
      %cond3A_91 = arith.cmpi ne, %convert_element_type3A_89, %cond3A_90 : i32
      scf.if %cond3A_91 {
        %add3A_171 = arith.constant 1 : i32
        %add3A_172 = arith.addi %add3A_86, %add3A_171 : i32
        %sub3A = arith.constant 4 : i32
        %sub3A_173 = arith.subi %add3A_172, %sub3A : i32
        %add3A_174 = arith.addi %mul3A_2, %sub3A_173 : i32
        %dma_wait3A_175 = arith.constant 0 : i32
        %dma_wait3A_176 = arith.constant 0 : i32
        %dma_wait3A_177 = tpu.memref_slice %arg4[%add3A_174, %dma_wait3A_175, %dma_wait3A_176] : memref<4096x50x512xf32, #tpu.memory_space<hbm>> -> memref<1x48x512xf32, #tpu.memory_space<hbm>>
        %dma_wait3A_178 = tpu.memref_squeeze %dma_wait3A_177 : memref<1x48x512xf32, #tpu.memory_space<hbm>> -> memref<48x512xf32, #tpu.memory_space<hbm>>
        %dma_wait3A_179 = arith.constant 0 : i32
        %dma_wait3A_180 = arith.constant 0 : i32
        %dma_wait3A_181 = tpu.memref_slice %arg4[%add3A_174, %dma_wait3A_179, %dma_wait3A_180] : memref<4096x50x512xf32, #tpu.memory_space<hbm>> -> memref<1x48x512xf32, #tpu.memory_space<hbm>>
        %dma_wait3A_182 = tpu.memref_squeeze %dma_wait3A_181 : memref<1x48x512xf32, #tpu.memory_space<hbm>> -> memref<48x512xf32, #tpu.memory_space<hbm>>
        tpu.wait_dma2 semaphore(%arg16 : memref<!tpu.dma_semaphore, #tpu.memory_space<semaphore_mem>>) src(%arg8 : memref<48x512xf32, #tpu.memory_space<vmem>>) dst(%dma_wait3A_182 : memref<48x512xf32, #tpu.memory_space<hbm>>)
      } else {
      }
      %add3A_92 = arith.constant 1 : i32
      %add3A_93 = arith.addi %add3A_86, %add3A_92 : i32
      %mul3A_94 = arith.constant 56 : i32
      %mul3A_95 = arith.muli %add3A_93, %mul3A_94 : i32
      %multiple_of3A_96 = tpu.assume_multiple %mul3A_95, 56 : i32
      %dma_start3A_97 = tpu.memref_slice %arg5[%multiple_of3A_96] : memref<7168xi32, #tpu.memory_space<vmem>> -> memref<48xi32, #tpu.memory_space<vmem>>
      %dma_start3A_98 = arith.constant 0 : i32
      %dma_start3A_99 = arith.constant 0 : i32
      %dma_start3A_100 = tpu.memref_slice %arg2[%dma_start3A_98, %dma_start3A_99] : memref<2500x512xf32, #tpu.memory_space<hbm>> -> memref<2500x512xf32, #tpu.memory_space<hbm>>
      tpu.enqueue_indirect_dma source(%dma_start3A_100 : memref<2500x512xf32, #tpu.memory_space<hbm>>) target(%arg8 : memref<48x512xf32, #tpu.memory_space<vmem>>) offsets(%dma_start3A_97 : memref<48xi32, #tpu.memory_space<vmem>>) semaphore(%arg12 : memref<!tpu.dma_semaphore, #tpu.memory_space<semaphore_mem>>)
      %mul3A_101 = arith.constant 56 : i32
      %mul3A_102 = arith.muli %add3A_86, %mul3A_101 : i32
      %multiple_of3A_103 = tpu.assume_multiple %mul3A_102, 56 : i32
      %dma_wait3A_104 = tpu.memref_slice %arg5[%multiple_of3A_103] : memref<7168xi32, #tpu.memory_space<vmem>> -> memref<48xi32, #tpu.memory_space<vmem>>
      %dma_wait3A_105 = arith.constant 0 : i32
      %dma_wait3A_106 = arith.constant 0 : i32
      %dma_wait3A_107 = tpu.memref_slice %arg2[%dma_wait3A_105, %dma_wait3A_106] : memref<2500x512xf32, #tpu.memory_space<hbm>> -> memref<2500x512xf32, #tpu.memory_space<hbm>>
      tpu.wait_indirect_dma semaphore(%arg11 : memref<!tpu.dma_semaphore, #tpu.memory_space<semaphore_mem>>) src(%dma_wait3A_107 : memref<2500x512xf32, #tpu.memory_space<hbm>>) dst(%arg7 : memref<48x512xf32, #tpu.memory_space<vmem>>)
      %add3A_108 = arith.addi %mul3A_2, %add3A_86 : i32
      %dma_start3A_109 = arith.constant 0 : i32
      %dma_start3A_110 = arith.constant 0 : i32
      %dma_start3A_111 = tpu.memref_slice %arg4[%add3A_108, %dma_start3A_109, %dma_start3A_110] : memref<4096x50x512xf32, #tpu.memory_space<hbm>> -> memref<1x48x512xf32, #tpu.memory_space<hbm>>
      %dma_start3A_112 = tpu.memref_squeeze %dma_start3A_111 : memref<1x48x512xf32, #tpu.memory_space<hbm>> -> memref<48x512xf32, #tpu.memory_space<hbm>>
      %dma_start3A_113 = arith.constant 0 : i32
      %dma_start3A_114 = arith.constant 0 : i32
      %dma_start3A_115 = tpu.memref_slice %arg4[%add3A_108, %dma_start3A_113, %dma_start3A_114] : memref<4096x50x512xf32, #tpu.memory_space<hbm>> -> memref<1x48x512xf32, #tpu.memory_space<hbm>>
      %dma_start3A_116 = tpu.memref_squeeze %dma_start3A_115 : memref<1x48x512xf32, #tpu.memory_space<hbm>> -> memref<48x512xf32, #tpu.memory_space<hbm>>
      tpu.enqueue_dma source(%arg7 : memref<48x512xf32, #tpu.memory_space<vmem>>) target(%dma_start3A_116 : memref<48x512xf32, #tpu.memory_space<hbm>>) target_semaphore(%arg15 : memref<!tpu.dma_semaphore, #tpu.memory_space<semaphore_mem>>)
      %add3A_117 = arith.constant 2 : i32
      %add3A_118 = arith.addi %mul3A_55, %add3A_117 : i32
      %gt3A_119 = arith.constant 0 : i32
      %gt3A_120 = arith.cmpi sgt, %scan3A_53, %gt3A_119 : i32
      %convert_element_type3A_121 = arith.extui %gt3A_120 : i1 to i32
      %cond3A_122 = arith.constant 0 : i32
      %cond3A_123 = arith.cmpi ne, %convert_element_type3A_121, %cond3A_122 : i32
      scf.if %cond3A_123 {
        %add3A_171 = arith.constant 1 : i32
        %add3A_172 = arith.addi %add3A_118, %add3A_171 : i32
        %sub3A = arith.constant 4 : i32
        %sub3A_173 = arith.subi %add3A_172, %sub3A : i32
        %add3A_174 = arith.addi %mul3A_2, %sub3A_173 : i32
        %dma_wait3A_175 = arith.constant 0 : i32
        %dma_wait3A_176 = arith.constant 0 : i32
        %dma_wait3A_177 = tpu.memref_slice %arg4[%add3A_174, %dma_wait3A_175, %dma_wait3A_176] : memref<4096x50x512xf32, #tpu.memory_space<hbm>> -> memref<1x48x512xf32, #tpu.memory_space<hbm>>
        %dma_wait3A_178 = tpu.memref_squeeze %dma_wait3A_177 : memref<1x48x512xf32, #tpu.memory_space<hbm>> -> memref<48x512xf32, #tpu.memory_space<hbm>>
        %dma_wait3A_179 = arith.constant 0 : i32
        %dma_wait3A_180 = arith.constant 0 : i32
        %dma_wait3A_181 = tpu.memref_slice %arg4[%add3A_174, %dma_wait3A_179, %dma_wait3A_180] : memref<4096x50x512xf32, #tpu.memory_space<hbm>> -> memref<1x48x512xf32, #tpu.memory_space<hbm>>
        %dma_wait3A_182 = tpu.memref_squeeze %dma_wait3A_181 : memref<1x48x512xf32, #tpu.memory_space<hbm>> -> memref<48x512xf32, #tpu.memory_space<hbm>>
        tpu.wait_dma2 semaphore(%arg17 : memref<!tpu.dma_semaphore, #tpu.memory_space<semaphore_mem>>) src(%arg9 : memref<48x512xf32, #tpu.memory_space<vmem>>) dst(%dma_wait3A_182 : memref<48x512xf32, #tpu.memory_space<hbm>>)
      } else {
      }
      %add3A_124 = arith.constant 1 : i32
      %add3A_125 = arith.addi %add3A_118, %add3A_124 : i32
      %mul3A_126 = arith.constant 56 : i32
      %mul3A_127 = arith.muli %add3A_125, %mul3A_126 : i32
      %multiple_of3A_128 = tpu.assume_multiple %mul3A_127, 56 : i32
      %dma_start3A_129 = tpu.memref_slice %arg5[%multiple_of3A_128] : memref<7168xi32, #tpu.memory_space<vmem>> -> memref<48xi32, #tpu.memory_space<vmem>>
      %dma_start3A_130 = arith.constant 0 : i32
      %dma_start3A_131 = arith.constant 0 : i32
      %dma_start3A_132 = tpu.memref_slice %arg2[%dma_start3A_130, %dma_start3A_131] : memref<2500x512xf32, #tpu.memory_space<hbm>> -> memref<2500x512xf32, #tpu.memory_space<hbm>>
      tpu.enqueue_indirect_dma source(%dma_start3A_132 : memref<2500x512xf32, #tpu.memory_space<hbm>>) target(%arg9 : memref<48x512xf32, #tpu.memory_space<vmem>>) offsets(%dma_start3A_129 : memref<48xi32, #tpu.memory_space<vmem>>) semaphore(%arg13 : memref<!tpu.dma_semaphore, #tpu.memory_space<semaphore_mem>>)
      %mul3A_133 = arith.constant 56 : i32
      %mul3A_134 = arith.muli %add3A_118, %mul3A_133 : i32
      %multiple_of3A_135 = tpu.assume_multiple %mul3A_134, 56 : i32
      %dma_wait3A_136 = tpu.memref_slice %arg5[%multiple_of3A_135] : memref<7168xi32, #tpu.memory_space<vmem>> -> memref<48xi32, #tpu.memory_space<vmem>>
      %dma_wait3A_137 = arith.constant 0 : i32
      %dma_wait3A_138 = arith.constant 0 : i32
      %dma_wait3A_139 = tpu.memref_slice %arg2[%dma_wait3A_137, %dma_wait3A_138] : memref<2500x512xf32, #tpu.memory_space<hbm>> -> memref<2500x512xf32, #tpu.memory_space<hbm>>
      tpu.wait_indirect_dma semaphore(%arg12 : memref<!tpu.dma_semaphore, #tpu.memory_space<semaphore_mem>>) src(%dma_wait3A_139 : memref<2500x512xf32, #tpu.memory_space<hbm>>) dst(%arg8 : memref<48x512xf32, #tpu.memory_space<vmem>>)
      %add3A_140 = arith.addi %mul3A_2, %add3A_118 : i32
      %dma_start3A_141 = arith.constant 0 : i32
      %dma_start3A_142 = arith.constant 0 : i32
      %dma_start3A_143 = tpu.memref_slice %arg4[%add3A_140, %dma_start3A_141, %dma_start3A_142] : memref<4096x50x512xf32, #tpu.memory_space<hbm>> -> memref<1x48x512xf32, #tpu.memory_space<hbm>>
      %dma_start3A_144 = tpu.memref_squeeze %dma_start3A_143 : memref<1x48x512xf32, #tpu.memory_space<hbm>> -> memref<48x512xf32, #tpu.memory_space<hbm>>
      %dma_start3A_145 = arith.constant 0 : i32
      %dma_start3A_146 = arith.constant 0 : i32
      %dma_start3A_147 = tpu.memref_slice %arg4[%add3A_140, %dma_start3A_145, %dma_start3A_146] : memref<4096x50x512xf32, #tpu.memory_space<hbm>> -> memref<1x48x512xf32, #tpu.memory_space<hbm>>
      %dma_start3A_148 = tpu.memref_squeeze %dma_start3A_147 : memref<1x48x512xf32, #tpu.memory_space<hbm>> -> memref<48x512xf32, #tpu.memory_space<hbm>>
      tpu.enqueue_dma source(%arg8 : memref<48x512xf32, #tpu.memory_space<vmem>>) target(%dma_start3A_148 : memref<48x512xf32, #tpu.memory_space<hbm>>) target_semaphore(%arg16 : memref<!tpu.dma_semaphore, #tpu.memory_space<semaphore_mem>>)
      %add3A_149 = arith.constant 3 : i32
      %add3A_150 = arith.addi %mul3A_55, %add3A_149 : i32
      %lt3A = arith.constant 31 : i32
      %lt3A_151 = arith.cmpi slt, %scan3A_53, %lt3A : i32
      %convert_element_type3A_152 = arith.extui %lt3A_151 : i1 to i32
      %cond3A_153 = arith.constant 0 : i32
      %cond3A_154 = arith.cmpi ne, %convert_element_type3A_152, %cond3A_153 : i32
      scf.if %cond3A_154 {
        %add3A_171 = arith.constant 1 : i32
        %add3A_172 = arith.addi %add3A_150, %add3A_171 : i32
        %sub3A = arith.constant 4 : i32
        %sub3A_173 = arith.subi %add3A_172, %sub3A : i32
        %add3A_174 = arith.addi %mul3A_2, %sub3A_173 : i32
        %dma_wait3A_175 = arith.constant 0 : i32
        %dma_wait3A_176 = arith.constant 0 : i32
        %dma_wait3A_177 = tpu.memref_slice %arg4[%add3A_174, %dma_wait3A_175, %dma_wait3A_176] : memref<4096x50x512xf32, #tpu.memory_space<hbm>> -> memref<1x48x512xf32, #tpu.memory_space<hbm>>
        %dma_wait3A_178 = tpu.memref_squeeze %dma_wait3A_177 : memref<1x48x512xf32, #tpu.memory_space<hbm>> -> memref<48x512xf32, #tpu.memory_space<hbm>>
        %dma_wait3A_179 = arith.constant 0 : i32
        %dma_wait3A_180 = arith.constant 0 : i32
        %dma_wait3A_181 = tpu.memref_slice %arg4[%add3A_174, %dma_wait3A_179, %dma_wait3A_180] : memref<4096x50x512xf32, #tpu.memory_space<hbm>> -> memref<1x48x512xf32, #tpu.memory_space<hbm>>
        %dma_wait3A_182 = tpu.memref_squeeze %dma_wait3A_181 : memref<1x48x512xf32, #tpu.memory_space<hbm>> -> memref<48x512xf32, #tpu.memory_space<hbm>>
        tpu.wait_dma2 semaphore(%arg14 : memref<!tpu.dma_semaphore, #tpu.memory_space<semaphore_mem>>) src(%arg6 : memref<48x512xf32, #tpu.memory_space<vmem>>) dst(%dma_wait3A_182 : memref<48x512xf32, #tpu.memory_space<hbm>>)
        %add3A_183 = arith.constant 1 : i32
        %add3A_184 = arith.addi %add3A_150, %add3A_183 : i32
        %mul3A_185 = arith.constant 56 : i32
        %mul3A_186 = arith.muli %add3A_184, %mul3A_185 : i32
        %multiple_of3A_187 = tpu.assume_multiple %mul3A_186, 56 : i32
        %dma_start3A_188 = tpu.memref_slice %arg5[%multiple_of3A_187] : memref<7168xi32, #tpu.memory_space<vmem>> -> memref<48xi32, #tpu.memory_space<vmem>>
        %dma_start3A_189 = arith.constant 0 : i32
        %dma_start3A_190 = arith.constant 0 : i32
        %dma_start3A_191 = tpu.memref_slice %arg2[%dma_start3A_189, %dma_start3A_190] : memref<2500x512xf32, #tpu.memory_space<hbm>> -> memref<2500x512xf32, #tpu.memory_space<hbm>>
        tpu.enqueue_indirect_dma source(%dma_start3A_191 : memref<2500x512xf32, #tpu.memory_space<hbm>>) target(%arg6 : memref<48x512xf32, #tpu.memory_space<vmem>>) offsets(%dma_start3A_188 : memref<48xi32, #tpu.memory_space<vmem>>) semaphore(%arg10 : memref<!tpu.dma_semaphore, #tpu.memory_space<semaphore_mem>>)
      } else {
      }
      %mul3A_155 = arith.constant 56 : i32
      %mul3A_156 = arith.muli %add3A_150, %mul3A_155 : i32
      %multiple_of3A_157 = tpu.assume_multiple %mul3A_156, 56 : i32
      %dma_wait3A_158 = tpu.memref_slice %arg5[%multiple_of3A_157] : memref<7168xi32, #tpu.memory_space<vmem>> -> memref<48xi32, #tpu.memory_space<vmem>>
      %dma_wait3A_159 = arith.constant 0 : i32
      %dma_wait3A_160 = arith.constant 0 : i32
      %dma_wait3A_161 = tpu.memref_slice %arg2[%dma_wait3A_159, %dma_wait3A_160] : memref<2500x512xf32, #tpu.memory_space<hbm>> -> memref<2500x512xf32, #tpu.memory_space<hbm>>
      tpu.wait_indirect_dma semaphore(%arg13 : memref<!tpu.dma_semaphore, #tpu.memory_space<semaphore_mem>>) src(%dma_wait3A_161 : memref<2500x512xf32, #tpu.memory_space<hbm>>) dst(%arg9 : memref<48x512xf32, #tpu.memory_space<vmem>>)
      %add3A_162 = arith.addi %mul3A_2, %add3A_150 : i32
      %dma_start3A_163 = arith.constant 0 : i32
      %dma_start3A_164 = arith.constant 0 : i32
      %dma_start3A_165 = tpu.memref_slice %arg4[%add3A_162, %dma_start3A_163, %dma_start3A_164] : memref<4096x50x512xf32, #tpu.memory_space<hbm>> -> memref<1x48x512xf32, #tpu.memory_space<hbm>>
      %dma_start3A_166 = tpu.memref_squeeze %dma_start3A_165 : memref<1x48x512xf32, #tpu.memory_space<hbm>> -> memref<48x512xf32, #tpu.memory_space<hbm>>
      %dma_start3A_167 = arith.constant 0 : i32
      %dma_start3A_168 = arith.constant 0 : i32
      %dma_start3A_169 = tpu.memref_slice %arg4[%add3A_162, %dma_start3A_167, %dma_start3A_168] : memref<4096x50x512xf32, #tpu.memory_space<hbm>> -> memref<1x48x512xf32, #tpu.memory_space<hbm>>
      %dma_start3A_170 = tpu.memref_squeeze %dma_start3A_169 : memref<1x48x512xf32, #tpu.memory_space<hbm>> -> memref<48x512xf32, #tpu.memory_space<hbm>>
      tpu.enqueue_dma source(%arg9 : memref<48x512xf32, #tpu.memory_space<vmem>>) target(%dma_start3A_170 : memref<48x512xf32, #tpu.memory_space<hbm>>) target_semaphore(%arg17 : memref<!tpu.dma_semaphore, #tpu.memory_space<semaphore_mem>>)
    }
    %scan3A_13 = arith.constant 32 : i32
    %add3A_14 = arith.constant 124 : i32
    %add3A_15 = arith.addi %mul3A_2, %add3A_14 : i32
    %dma_wait3A = arith.constant 0 : i32
    %dma_wait3A_16 = arith.constant 0 : i32
    %dma_wait3A_17 = tpu.memref_slice %arg4[%add3A_15, %dma_wait3A, %dma_wait3A_16] : memref<4096x50x512xf32, #tpu.memory_space<hbm>> -> memref<1x48x512xf32, #tpu.memory_space<hbm>>
    %dma_wait3A_18 = tpu.memref_squeeze %dma_wait3A_17 : memref<1x48x512xf32, #tpu.memory_space<hbm>> -> memref<48x512xf32, #tpu.memory_space<hbm>>
    %dma_wait3A_19 = arith.constant 0 : i32
    %dma_wait3A_20 = arith.constant 0 : i32
    %dma_wait3A_21 = tpu.memref_slice %arg4[%add3A_15, %dma_wait3A_19, %dma_wait3A_20] : memref<4096x50x512xf32, #tpu.memory_space<hbm>> -> memref<1x48x512xf32, #tpu.memory_space<hbm>>
    %dma_wait3A_22 = tpu.memref_squeeze %dma_wait3A_21 : memref<1x48x512xf32, #tpu.memory_space<hbm>> -> memref<48x512xf32, #tpu.memory_space<hbm>>
    tpu.wait_dma2 semaphore(%arg14 : memref<!tpu.dma_semaphore, #tpu.memory_space<semaphore_mem>>) src(%arg6 : memref<48x512xf32, #tpu.memory_space<vmem>>) dst(%dma_wait3A_22 : memref<48x512xf32, #tpu.memory_space<hbm>>)
    %add3A_23 = arith.constant 125 : i32
    %add3A_24 = arith.addi %mul3A_2, %add3A_23 : i32
    %dma_wait3A_25 = arith.constant 0 : i32
    %dma_wait3A_26 = arith.constant 0 : i32
    %dma_wait3A_27 = tpu.memref_slice %arg4[%add3A_24, %dma_wait3A_25, %dma_wait3A_26] : memref<4096x50x512xf32, #tpu.memory_space<hbm>> -> memref<1x48x512xf32, #tpu.memory_space<hbm>>
    %dma_wait3A_28 = tpu.memref_squeeze %dma_wait3A_27 : memref<1x48x512xf32, #tpu.memory_space<hbm>> -> memref<48x512xf32, #tpu.memory_space<hbm>>
    %dma_wait3A_29 = arith.constant 0 : i32
    %dma_wait3A_30 = arith.constant 0 : i32
    %dma_wait3A_31 = tpu.memref_slice %arg4[%add3A_24, %dma_wait3A_29, %dma_wait3A_30] : memref<4096x50x512xf32, #tpu.memory_space<hbm>> -> memref<1x48x512xf32, #tpu.memory_space<hbm>>
    %dma_wait3A_32 = tpu.memref_squeeze %dma_wait3A_31 : memref<1x48x512xf32, #tpu.memory_space<hbm>> -> memref<48x512xf32, #tpu.memory_space<hbm>>
    tpu.wait_dma2 semaphore(%arg15 : memref<!tpu.dma_semaphore, #tpu.memory_space<semaphore_mem>>) src(%arg7 : memref<48x512xf32, #tpu.memory_space<vmem>>) dst(%dma_wait3A_32 : memref<48x512xf32, #tpu.memory_space<hbm>>)
    %add3A_33 = arith.constant 126 : i32
    %add3A_34 = arith.addi %mul3A_2, %add3A_33 : i32
    %dma_wait3A_35 = arith.constant 0 : i32
    %dma_wait3A_36 = arith.constant 0 : i32
    %dma_wait3A_37 = tpu.memref_slice %arg4[%add3A_34, %dma_wait3A_35, %dma_wait3A_36] : memref<4096x50x512xf32, #tpu.memory_space<hbm>> -> memref<1x48x512xf32, #tpu.memory_space<hbm>>
    %dma_wait3A_38 = tpu.memref_squeeze %dma_wait3A_37 : memref<1x48x512xf32, #tpu.memory_space<hbm>> -> memref<48x512xf32, #tpu.memory_space<hbm>>
    %dma_wait3A_39 = arith.constant 0 : i32
    %dma_wait3A_40 = arith.constant 0 : i32
    %dma_wait3A_41 = tpu.memref_slice %arg4[%add3A_34, %dma_wait3A_39, %dma_wait3A_40] : memref<4096x50x512xf32, #tpu.memory_space<hbm>> -> memref<1x48x512xf32, #tpu.memory_space<hbm>>
    %dma_wait3A_42 = tpu.memref_squeeze %dma_wait3A_41 : memref<1x48x512xf32, #tpu.memory_space<hbm>> -> memref<48x512xf32, #tpu.memory_space<hbm>>
    tpu.wait_dma2 semaphore(%arg16 : memref<!tpu.dma_semaphore, #tpu.memory_space<semaphore_mem>>) src(%arg8 : memref<48x512xf32, #tpu.memory_space<vmem>>) dst(%dma_wait3A_42 : memref<48x512xf32, #tpu.memory_space<hbm>>)
    %add3A_43 = arith.constant 127 : i32
    %add3A_44 = arith.addi %mul3A_2, %add3A_43 : i32
    %dma_wait3A_45 = arith.constant 0 : i32
    %dma_wait3A_46 = arith.constant 0 : i32
    %dma_wait3A_47 = tpu.memref_slice %arg4[%add3A_44, %dma_wait3A_45, %dma_wait3A_46] : memref<4096x50x512xf32, #tpu.memory_space<hbm>> -> memref<1x48x512xf32, #tpu.memory_space<hbm>>
    %dma_wait3A_48 = tpu.memref_squeeze %dma_wait3A_47 : memref<1x48x512xf32, #tpu.memory_space<hbm>> -> memref<48x512xf32, #tpu.memory_space<hbm>>
    %dma_wait3A_49 = arith.constant 0 : i32
    %dma_wait3A_50 = arith.constant 0 : i32
    %dma_wait3A_51 = tpu.memref_slice %arg4[%add3A_44, %dma_wait3A_49, %dma_wait3A_50] : memref<4096x50x512xf32, #tpu.memory_space<hbm>> -> memref<1x48x512xf32, #tpu.memory_space<hbm>>
    %dma_wait3A_52 = tpu.memref_squeeze %dma_wait3A_51 : memref<1x48x512xf32, #tpu.memory_space<hbm>> -> memref<48x512xf32, #tpu.memory_space<hbm>>
    tpu.wait_dma2 semaphore(%arg17 : memref<!tpu.dma_semaphore, #tpu.memory_space<semaphore_mem>>) src(%arg9 : memref<48x512xf32, #tpu.memory_space<vmem>>) dst(%dma_wait3A_52 : memref<48x512xf32, #tpu.memory_space<hbm>>)
    return
  }
}

module attributes {stable_mosaic.version = 14 : i64} {
  func.func @_build_table_tc(%arg0: memref<4096x50xi32, #tpu.memory_space<vmem>>, %arg1: memref<50x512xf32, #tpu.memory_space<vmem>>, %arg2: memref<50x512xf32, #tpu.memory_space<vmem>>, %arg3: memref<50x50x512xf32, #tpu.memory_space<vmem>>, %arg4: memref<4096x56xi32, #tpu.memory_space<vmem>>) attributes {dimension_semantics = [], scalar_prefetch = 0 : i64, scratch_operands = 0 : i64, tpu.core_type = #tpu.core_type<tc>} {
    %get3A = arith.constant 0 : index
    %get3A_0 = arith.constant 0 : index
    %get3A_1 = vector.load %arg1[%get3A, %get3A_0] : memref<50x512xf32, #tpu.memory_space<vmem>>, vector<50x512xf32>
    %get3A_2 = arith.constant 0 : index
    %get3A_3 = arith.constant 0 : index
    %get3A_4 = vector.load %arg2[%get3A_2, %get3A_3] : memref<50x512xf32, #tpu.memory_space<vmem>>, vector<50x512xf32>
    %broadcast_in_dim3A = vector.shape_cast %get3A_4 : vector<50x512xf32> to vector<50x1x512xf32>
    %broadcast_in_dim3A_5 = vector.shape_cast %get3A_1 : vector<50x512xf32> to vector<1x50x512xf32>
    %add3A = vector.broadcast %broadcast_in_dim3A : vector<50x1x512xf32> to vector<50x50x512xf32>
    %add3A_6 = vector.broadcast %broadcast_in_dim3A_5 : vector<1x50x512xf32> to vector<50x50x512xf32>
    %add3A_7 = arith.addf %add3A, %add3A_6 : vector<50x50x512xf32>
    %swap3A = arith.constant 0 : index
    %swap3A_8 = arith.constant 0 : index
    %swap3A_9 = arith.constant 0 : index
    %swap3A_10 = vector.load %arg3[%swap3A, %swap3A_8, %swap3A_9] : memref<50x50x512xf32, #tpu.memory_space<vmem>>, vector<50x50x512xf32>
    tpu.vector_store %arg3[%swap3A, %swap3A_8, %swap3A_9], %add3A_7 {strides = array<i32>} : memref<50x50x512xf32, #tpu.memory_space<vmem>>, vector<50x50x512xf32>,
    %get3A_11 = arith.constant 0 : index
    %get3A_12 = arith.constant 0 : index
    %get3A_13 = vector.load %arg0[%get3A_11, %get3A_12] : memref<4096x50xi32, #tpu.memory_space<vmem>>, vector<4096x50xi32>
    %broadcast_in_dim3A_14 = arith.constant 0 : i32
    %broadcast_in_dim3A_15 = vector.broadcast %broadcast_in_dim3A_14 : i32 to vector<4096x6xi32>
    %concatenate3A = tpu.concatenate %get3A_13, %broadcast_in_dim3A_15 in 1 : vector<4096x50xi32>, vector<4096x6xi32> -> vector<4096x56xi32>
    %iota3A = tpu.iota {dimensions = array<i32: 1>} : vector<4096x56xi32>
    %lt3A = arith.constant 50 : i32
    %lt3A_16 = vector.broadcast %lt3A : i32 to vector<4096x56xi32>
    %lt3A_17 = arith.cmpi slt, %iota3A, %lt3A_16 : vector<4096x56xi32>
    %mul3A = arith.constant 50 : i32
    %mul3A_18 = vector.broadcast %mul3A : i32 to vector<4096x56xi32>
    %mul3A_19 = arith.muli %mul3A_18, %iota3A : vector<4096x56xi32>
    %add3A_20 = arith.addi %concatenate3A, %mul3A_19 : vector<4096x56xi32>
    %jit3A = arith.constant 0 : i32
    %broadcast_in_dim3A_21 = vector.broadcast %jit3A : i32 to vector<4096x56xi32>
    %select_n3A = arith.select %lt3A_17, %add3A_20, %broadcast_in_dim3A_21 : vector<4096x56xi1>, vector<4096x56xi32>
    %swap3A_22 = arith.constant 0 : index
    %swap3A_23 = arith.constant 0 : index
    %swap3A_24 = vector.load %arg4[%swap3A_22, %swap3A_23] : memref<4096x56xi32, #tpu.memory_space<vmem>>, vector<4096x56xi32>
    tpu.vector_store %arg4[%swap3A_22, %swap3A_23], %select_n3A {strides = array<i32>} : memref<4096x56xi32, #tpu.memory_space<vmem>>, vector<4096x56xi32>,
    return
  }
}

module attributes {stable_mosaic.version = 14 : i64} {
  func.func @_fix_tail_tc(%arg0: i32, %arg1: memref<256x50xi32, #tpu.memory_space<vmem>>, %arg2: memref<2500x512xf32, #tpu.memory_space<vmem>>, %arg3: memref<4096x50x512xf32, #tpu.memory_space<hbm>>, %arg4: memref<4096x50x512xf32, #tpu.memory_space<hbm>>, %arg5: memref<256x2x512xf32, #tpu.memory_space<vmem>>, %arg6: memref<!tpu.dma_semaphore, #tpu.memory_space<semaphore_mem>>) attributes {dimension_semantics = [#tpu.dimension_semantics<arbitrary>], iteration_bounds = array<i64: 16>, scalar_prefetch = 0 : i64, scratch_operands = 2 : i64, tpu.core_type = #tpu.core_type<tc>, window_params = [{transform_indices = @transform_0, window_bounds = array<i64: 256, 50>}, {pipeline_mode = #tpu.pipeline_mode<synchronous>, transform_indices = @transform_1, window_bounds = array<i64: 2500, 512>}, {}, {}]} {
    %get3A = arith.constant 0 : index
    %get3A_0 = arith.constant 0 : index
    %get3A_1 = vector.load %arg1[%get3A, %get3A_0] : memref<256x50xi32, #tpu.memory_space<vmem>>, vector<256x50xi32>
    %get3A_2 = arith.constant 2400 : index
    %get3A_3 = arith.constant 0 : index
    %get3A_4 = vector.load %arg2[%get3A_2, %get3A_3] : memref<2500x512xf32, #tpu.memory_space<vmem>>, vector<50x512xf32>
    %get3A_5 = arith.constant 2450 : index
    %get3A_6 = arith.constant 0 : index
    %get3A_7 = vector.load %arg2[%get3A_5, %get3A_6] : memref<2500x512xf32, #tpu.memory_space<vmem>>, vector<50x512xf32>
    %iota3A = tpu.iota {dimensions = array<i32: 1>} : vector<256x50xi32>
    %slice3A = vector.extract_strided_slice %get3A_1 {offsets = [0, 48], sizes = [256, 1], strides = [1, 1]} : vector<256x50xi32> to vector<256x1xi32>
    %eq3A = vector.broadcast %slice3A : vector<256x1xi32> to vector<256x50xi32>
    %eq3A_8 = arith.cmpi eq, %eq3A, %iota3A : vector<256x50xi32>
    %convert_element_type3A = arith.extui %eq3A_8 : vector<256x50xi1> to vector<256x50xi32>
    %convert_element_type3A_9 = arith.sitofp %convert_element_type3A : vector<256x50xi32> to vector<256x50xf32>
    %slice3A_10 = vector.extract_strided_slice %get3A_1 {offsets = [0, 49], sizes = [256, 1], strides = [1, 1]} : vector<256x50xi32> to vector<256x1xi32>
    %eq3A_11 = vector.broadcast %slice3A_10 : vector<256x1xi32> to vector<256x50xi32>
    %eq3A_12 = arith.cmpi eq, %eq3A_11, %iota3A : vector<256x50xi32>
    %convert_element_type3A_13 = arith.extui %eq3A_12 : vector<256x50xi1> to vector<256x50xi32>
    %convert_element_type3A_14 = arith.sitofp %convert_element_type3A_13 : vector<256x50xi32> to vector<256x50xf32>
    %dot_general3A = arith.constant dense<0.000000e+00> : vector<256x512xf32>
    %dot_general3A_15 = tpu.matmul %convert_element_type3A_9, %get3A_4, %dot_general3A {dimension_numbers = #tpu.dot_dimension_numbers<[1], [0], [0], [1], [0, 0, 1, 1], [], []>, precision = #tpu.contract_precision<fp32>, transpose_lhs_hint = false} : vector<256x50xf32>, vector<50x512xf32>, vector<256x512xf32> -> vector<256x512xf32>
    %swap3A = arith.constant 0 : index
    %swap3A_16 = arith.constant 0 : index
    %swap3A_17 = arith.constant 0 : index
    %swap3A_18 = vector.load %arg5[%swap3A, %swap3A_16, %swap3A_17] : memref<256x2x512xf32, #tpu.memory_space<vmem>>, vector<256x1x512xf32>
    %swap3A_19 = vector.shape_cast %swap3A_18 : vector<256x1x512xf32> to vector<256x512xf32>
    %swap3A_20 = vector.shape_cast %dot_general3A_15 : vector<256x512xf32> to vector<256x1x512xf32>
    tpu.vector_store %arg5[%swap3A, %swap3A_16, %swap3A_17], %swap3A_20 {strides = array<i32>} : memref<256x2x512xf32, #tpu.memory_space<vmem>>, vector<256x1x512xf32>,
    %dot_general3A_21 = arith.constant dense<0.000000e+00> : vector<256x512xf32>
    %dot_general3A_22 = tpu.matmul %convert_element_type3A_14, %get3A_7, %dot_general3A_21 {dimension_numbers = #tpu.dot_dimension_numbers<[1], [0], [0], [1], [0, 0, 1, 1], [], []>, precision = #tpu.contract_precision<fp32>, transpose_lhs_hint = false} : vector<256x50xf32>, vector<50x512xf32>, vector<256x512xf32> -> vector<256x512xf32>
    %swap3A_23 = arith.constant 0 : index
    %swap3A_24 = arith.constant 1 : index
    %swap3A_25 = arith.constant 0 : index
    %swap3A_26 = vector.load %arg5[%swap3A_23, %swap3A_24, %swap3A_25] : memref<256x2x512xf32, #tpu.memory_space<vmem>>, vector<256x1x512xf32>
    %swap3A_27 = vector.shape_cast %swap3A_26 : vector<256x1x512xf32> to vector<256x512xf32>
    %swap3A_28 = vector.shape_cast %dot_general3A_22 : vector<256x512xf32> to vector<256x1x512xf32>
    tpu.vector_store %arg5[%swap3A_23, %swap3A_24, %swap3A_25], %swap3A_28 {strides = array<i32>} : memref<256x2x512xf32, #tpu.memory_space<vmem>>, vector<256x1x512xf32>,
    %mul3A = arith.constant 256 : i32
    %mul3A_29 = arith.muli %arg0, %mul3A : i32
    %dma_start3A = arith.constant 48 : i32
    %dma_start3A_30 = arith.constant 0 : i32
    %dma_start3A_31 = tpu.memref_slice %arg4[%mul3A_29, %dma_start3A, %dma_start3A_30] : memref<4096x50x512xf32, #tpu.memory_space<hbm>> -> memref<256x2x512xf32, #tpu.memory_space<hbm>>
    tpu.enqueue_dma source(%arg5 : memref<256x2x512xf32, #tpu.memory_space<vmem>>) target(%dma_start3A_31 : memref<256x2x512xf32, #tpu.memory_space<hbm>>) target_semaphore(%arg6 : memref<!tpu.dma_semaphore, #tpu.memory_space<semaphore_mem>>)
    %mul3A_32 = arith.constant 256 : i32
    %mul3A_33 = arith.muli %arg0, %mul3A_32 : i32
    %dma_wait3A = arith.constant 48 : i32
    %dma_wait3A_34 = arith.constant 0 : i32
    %dma_wait3A_35 = tpu.memref_slice %arg4[%mul3A_33, %dma_wait3A, %dma_wait3A_34] : memref<4096x50x512xf32, #tpu.memory_space<hbm>> -> memref<256x2x512xf32, #tpu.memory_space<hbm>>
    tpu.wait_dma2 semaphore(%arg6 : memref<!tpu.dma_semaphore, #tpu.memory_space<semaphore_mem>>) src(%arg5 : memref<256x2x512xf32, #tpu.memory_space<vmem>>) dst(%dma_wait3A_35 : memref<256x2x512xf32, #tpu.memory_space<hbm>>)
    return
  }
  func.func @transform_0(%arg0: i32) -> (i32, i32) {
    %c0_i32 = arith.constant 0 : i32
    %c0_i32_0 = arith.constant 0 : i32
    return %arg0, %c0_i32 : i32, i32
  }
  func.func @transform_1(%arg0: i32) -> (i32, i32) {
    %c0_i32 = arith.constant 0 : i32
    %c0_i32_0 = arith.constant 0 : i32
    %c0_i32_1 = arith.constant 0 : i32
    return %c0_i32, %c0_i32_0 : i32, i32
  }
}

</mosaic_0001>

<sc_bundles>
// kernel: kernel.5.cloned.1.call-start
scs
__scs_entry_jumppad:
0x0: {  	(pc) =	sbr.rel $0x88, $3  }
0x1: {  	(tag) =	ssettag $0x0;
	lr =	simm.s32 $0x1  }
0x2: {  	[smem:$0x3F9E] =	sst lr;
	_ =	strace $0xD0000000  }
0x3: {  	_ = 	snop  }
0x4: {  	_ = 	snop  }
0x5: {  	_ = 	snop  }
0x6: {  	_ = 	snop  }
0x7: {  	_ = 	snop  }
__scs_overlays_trampoline_lowered:
0x8: {  	[smem:$0x3FAD] =	sst s0  }
0x9: {  	[smem:$0x3FAE] =	sst s1  }
0xa: {  	[smem:$0x3FAF] =	sst s2  }
0xb: {  	[smem:$0x3FB0] =	sst s3  }
0xc: {  	[smem:$0x3FB1] =	sst s4  }
0xd: {  	[smem:$0x3FB2] =	sst s5  }
0xe: {  	[smem:$0x3FB3] =	sst s6  }
0xf: {  	[smem:$0x3FB4] =	sst s7  }
0x10: {  	[smem:$0x3FB5] =	sst s8  }
0x11: {  	[smem:$0x3FB6] =	sst s9;
	s0 =	simm.s32 @!p0 $0x0  }
0x12: {  	s1 =	sld [smem:$0x3F9C];
	s0 =	simm.s32 @p0 $0x1  }
0x13: {  	[smem:$0x3FB7] =	sst s0;
	s0 =	simm.s32 @!p1 $0x0  }
0x14: {  	s2 =	sld [smem:$0x3F9B];
	s0 =	simm.s32 @p1 $0x1  }
0x15: {  	[smem:$0x3FB8] =	sst s0;
	s0 =	simm.s32 @!p2 $0x0  }
0x16: {  	s3 =	sld [smem:$0x3FDB];
	s0 =	simm.s32 @p2 $0x1  }
0x17: {  	s4 =	simm.s32 $0x1BF5;
	[smem:$0x3FBA] =	sst s0  }
0x18: {  	s0 =	sld [smem:$0x3F9D];
	_ =	swait.ge [sflag:s4], $0x0  }
0x19: {  	s7 =	sld [smem:$0x3F9E]  }
0x1a: {  	s8 =	sadd.s32 $0xFFFFE003, lr  }
0x1b: {  	s9 =	sadd.s32 $0xFFFFFEF7, lr;
	s5 =	simm.s32 $0xFFFFFFFF;
	p2 =	slt.u32 s8, $0xFFFFF086  }
0x1c: {  	p1 =	slt.u32 s9, $0xF7A;
	s5 =	simm.s32 @!p2 $0x0  }
0x1d: {  	s5 =	simm.s32 @p1 $0x1;
	p0 =	seq.s32 s7, s2  }
0x1e: {  	s7 =	smul.u32 @!p0 $0xF7A, s2;
	p2 =	seq.s32 @!p0 s5, $0x0  }
0x1f: {  	s9 =	smul.u32 $0xF7A, s1;
	s8 =	simm.s32 @!p0 $0x1BF5;
	p2 =	por !p2, p0  }
0x20: {  	[sflag:s8] =	ssyncset.s32 @!p0 $0xFFFFF086;
	s6 =	sadd.s32 @!p0 s3, s7;
	s7 =	simm.s32 @!p0 $0x108  }
0x21: {  	s3 =	sadd.s32 s3, s9;
	s6 =	sadd.s32 @!p0 $0x88, s6;
	s7 =	simm.s32 @p2 $0x1082  }
0x22: {  	[simem:s7], [sflag:s8] =	dma.local @!p0 [hbm:s6], $0xF7A  }
0x23: {  	s9 =	sor.u32 $0xD0000000, s2;
	s6 =	simm.s32 $0x108;
	_ =	swait.ge @!p0 [sflag:s8], $0x0  }
0x24: {  	s3 =	sadd.s32 $0x88, s3;
	s6 =	simm.s32 @!p1 $0x1082;
	[sflag:s4] =	ssyncset.s32 $0xFFFFF086  }
0x25: {  	[simem:s6], [sflag:s4] =	dma.local [hbm:s3], $0xF7A  }
0x26: {  	[smem:$0x3F9E] =	sst s1;
	(tag) =	ssettag s2;
	_ =	strace s9  }
0x27: {  	s1 =	sld [smem:$0x3FAE]  }
0x28: {  	s2 =	sld [smem:$0x3FAF]  }
0x29: {  	s4 =	sld [smem:$0x3FB1]  }
0x2a: {  	p0 =	seq.s32 s5, $0x0;
	s5 =	sld [smem:$0x3FB2]  }
0x2b: {  	s6 =	sld [smem:$0x3FB3]  }
0x2c: {  	s7 =	sld [smem:$0x3FB4]  }
0x2d: {  	s3 =	simm.s32 $0x108;
	s8 =	sld [smem:$0x3FB5]  }
0x2e: {  	s3 =	simm.s32 @!p0 $0x1082;
	s9 =	sld [smem:$0x3FB6]  }
0x2f: {  	lr =	sadd.s32 s0, s3;
	s0 =	sld [smem:$0x3FAD]  }
0x30: {  	s3 =	sld [smem:$0x3FB0]  }
0x31: {  	[smem:$0x3FB9] =	sst s10  }
0x32: {  	s10 =	sld [smem:$0x3FB7];
	_ =	sdelay $0x3  }
0x33: {  	p0 =	seq.s32 s10, $0x1;
	s10 =	sld [smem:$0x3FB9];
	_ =	sdelay $0x3  }
0x34: {  	[smem:$0x3FB9] =	sst s10  }
0x35: {  	s10 =	sld [smem:$0x3FB8];
	_ =	sdelay $0x3  }
0x36: {  	p1 =	seq.s32 s10, $0x1;
	s10 =	sld [smem:$0x3FB9];
	_ =	sdelay $0x3  }
0x37: {  	[smem:$0x3FB9] =	sst s10  }
0x38: {  	s10 =	sld [smem:$0x3FBA]  }
0x39: {  	_ = 	snop;
	(pc) =	sbr.ind lr, $3  }
0x3a: {  	_ = 	snop  }
0x3b: {  	_ = 	snop  }
0x3c: {  	p2 =	seq.s32 s10, $0x1;
	s10 =	sld [smem:$0x3FB9]  }
0x3d: {  	_ =	shalt  }
0x3e: {  	_ =	shalt  }
0x3f: {  	_ =	shalt  }
0x40: {  	_ =	shalt  }
0x41: {  	_ =	shalt  }
0x42: {  	_ =	shalt  }
0x43: {  	_ =	shalt  }
0x44: {  	_ =	shalt  }
0x45: {  	_ =	shalt  }
0x46: {  	_ =	shalt  }
0x47: {  	_ =	shalt  }
0x48: {  	_ =	shalt  }
0x49: {  	_ =	shalt  }
0x4a: {  	_ =	shalt  }
0x4b: {  	_ =	shalt  }
0x4c: {  	_ =	shalt  }
0x4d: {  	_ =	shalt  }
0x4e: {  	_ =	shalt  }
0x4f: {  	_ =	shalt  }
0x50: {  	_ =	shalt  }
0x51: {  	_ =	shalt  }
0x52: {  	_ =	shalt  }
0x53: {  	_ =	shalt  }
0x54: {  	_ =	shalt  }
0x55: {  	_ =	shalt  }
0x56: {  	_ =	shalt  }
0x57: {  	_ =	shalt  }
0x58: {  	_ =	shalt  }
0x59: {  	_ =	shalt  }
0x5a: {  	_ =	shalt  }
0x5b: {  	_ =	shalt  }
0x5c: {  	_ =	shalt  }
0x5d: {  	_ =	shalt  }
0x5e: {  	_ =	shalt  }
0x5f: {  	_ =	shalt  }
0x60: {  	_ =	shalt  }
0x61: {  	_ =	shalt  }
0x62: {  	_ =	shalt  }
0x63: {  	_ =	shalt  }
0x64: {  	_ =	shalt  }
0x65: {  	_ =	shalt  }
0x66: {  	_ =	shalt  }
0x67: {  	_ =	shalt  }
0x68: {  	_ =	shalt  }
0x69: {  	_ =	shalt  }
0x6a: {  	_ =	shalt  }
0x6b: {  	_ =	shalt  }
0x6c: {  	_ =	shalt  }
0x6d: {  	_ =	shalt  }
0x6e: {  	_ =	shalt  }
0x6f: {  	_ =	shalt  }
0x70: {  	_ =	shalt  }
0x71: {  	_ =	shalt  }
0x72: {  	_ =	shalt  }
0x73: {  	_ =	shalt  }
0x74: {  	_ =	shalt  }
0x75: {  	_ =	shalt  }
0x76: {  	_ =	shalt  }
0x77: {  	_ =	shalt  }
0x78: {  	_ =	shalt  }
0x79: {  	_ =	shalt  }
0x7a: {  	_ =	shalt  }
0x7b: {  	_ =	shalt  }
0x7c: {  	_ =	shalt  }
0x7d: {  	_ =	shalt  }
0x7e: {  	_ =	shalt  }
0x7f: {  	_ =	shalt  }
0x80: {  	_ =	shalt  }
0x81: {  	_ =	shalt  }
0x82: {  	_ =	shalt  }
0x83: {  	_ =	shalt  }
0x84: {  	_ =	shalt  }
0x85: {  	_ =	shalt  }
0x86: {  	_ =	shalt  }
0x87: {  	_ =	shalt  }
.Lfunc_end0:
.L_simem_size_0:
called_computation_lowered:
.L_overlay_start_0:
0x88: {  	s2 =	sld [smem:$0x3FD9]  }
0x89: {  	s3 =	sld [smem:$0x3FFE];
	_ =	sdelay $0x1  }
0x8a: {  	s1 =	srdreg.scid  }
0x8b: {  	s0 =	sand.u32 $0x1, s1  }
0x8c: {  	s17 =	sshll.u32 s0, $0xA;
	s2 =	sadd.s32 s3, s2  }
0x8d: {  	s2 =	sadd.s32 s2, s17  }
0x8e: {  	[smem:$0x3FC5] =	sst s2  }
0x8f: {  	_ = 	snop  }
0x90: {  	s2 =	sld [smem:$0x3FD0];
	(tm) =	ssettm $0x1  }
0x91: {  	s18 =	sld [smem:$0x3FFB];
	_ =	sdelay $0x3  }
0x92: {  	_ =	strace s18  }
0x93: {  	s3 =	sld [smem:$0x3FFC];
	_ =	sdelay $0x3  }
0x94: {  	_ =	strace s3  }
0x95: {  	s3 =	sld [smem:$0x3FFD];
	_ =	sdelay $0x3  }
0x96: {  	_ =	strace s3  }
0x97: {  	_ =	strace $0x8FFFFFFF  }
0x98: {  	s19 =	sld [smem:$0x3FDB];
	_ =	sdelay $0x1  }
0x99: {  	s4 =	simm.s32 $_scs_section_size  }
0x9a: {  	s5 =	simm.s32 $_size__tile_overlayer_lowered;
	s6 =	simm.s32 $_tile_overlayer_lowered  }
0x9b: {  	s22 =	simm.s32 $0x1BFF;
	s21 =	sshll.u32 s6, $0x1;
	s3 =	sadd.s32 s4, s19  }
0x9c: {  	s7 =	simm.s32 $0x0;
	s20 =	sshll.u32 s5, $0x1;
	s5 =	sadd.s32 s21, s3  }
0x9d: {  	[timem:s7], [sflag:s22] =	dma.local [hbm:s5], s20  }
0x9e: {  	_ =	swait.ge [sflag:s22], s20  }
0x9f: {  	s4 =	ssub.s32 $0x0, s20;
	[sflag:s22] =	ssyncset.done $0x0  }
0xa0: {  	[sflag:s22] =	ssyncadd.s32 s4;
	_ =	sdelay $0x1  }
0xa1: {  	s23 =	simm.s32 $0x1B8B  }
0xa2: {  	_ =	swait.ge [sflag:s23], $0x1  }
0xa3: {  	[sflag:s23] =	ssyncset.done $0x0  }
0xa4: {  	s25 =	simm.s32 $0x1B8E;
	s24 =	sld [smem:$0x3FFE];
	[sflag:s23] =	ssyncadd.s32 $0xFFFFFFFF  }
0xa5: {  	s26 =	simm.s32 $execute0_lowered;
	[smem:$0x3FD2] =	sst s25  }
0xa6: {  	s5 =	sshll.u32 s26, $0x1;
	_ =	strace $0x80000046;
	[dreg:$0x1] =	wrdreg $0xFFFFFFFF  }
0xa7: {  	s28 =	simm.s32 $_size_execute0_lowered;
	s3 =	sadd.s32 s3, s5;
	[dreg:$0x0] =	wrdreg $0x0  }
0xa8: {  	s5 =	sshll.u32 s28, $0x1;
	[dreg:$0x2] =	wrdreg s3  }
0xa9: {  	[dreg:$0x3] =	wrdreg s5  }
0xaa: {  	[dreg:$0x4] =	wrdreg $0xC0  }
0xab: {  	_ =	task [dreg:s7], $0x5FFFF  }
0xac: {  	[dreg:$0x1] =	wrdreg $0xFFFFFFFF  }
0xad: {  	[dreg:$0x0] =	wrdreg $0x60  }
0xae: {  	[dreg:$0x2] =	wrdreg s2  }
0xaf: {  	[dreg:$0x3] =	wrdreg s24  }
0xb0: {  	[dreg:$0x4] =	wrdreg $0x9  }
0xb1: {  	_ =	task.clear_ibuf [dreg:s7], $0x5FFFF;
	_ =	strace $0x90000046  }
0xb2: {  	s29 =	simm.s32 $0x9;
	_ =	strace $0x80000048  }
0xb3: {  	_ =	swait.ge [sflag:s29], $0x1  }
0xb4: {  	[sflag:s29] =	ssyncadd.s32 $0xFFFFFFFF  }
0xb5: {  	_ =	strace $0x90000048  }
0xb6: {  	_ =	sfence  }
0xb7: {  	s30 =	sld [smem:$0x0];
	_ =	sdelay $0x2  }
0xb8: {  	s31 =	sshll.u32 s1, $0xD;
	s1 =	sshrl.u32 s1, $0x2  }
0xb9: {  	s3 =	sand.u32 $0x4000, s31;
	s1 =	sadd.s32 s1, s30  }
0xba: {  	s0 =	sor.u32 s3, s0;
	s1 =	sshll.u32 s1, $0x11  }
0xbb: {  	s0 =	sor.u32 s1, s0  }
0xbc: {  	s0 =	sadd.s32 $0x8F2B, s0  }
0xbd: {  	[sflag:s0] =	ssyncadd.remote.s32 $0x1  }
0xbe: {  	_ =	sfence.sel $0xFFFF  }
0xbf: {  	[dreg:$0x0] =	wrdreg $0xFFFFFFFF;
	(pc) =	sbr.abs _section_cstart, $3  }
0xc0: {  	[dreg:$0x1] =	wrdreg $0xFFFFFFFF  }
0xc1: {  	_ =	task.clear_ibuf [dreg:s7], $0x2FFFF;
	_ =	strace $0x9FFFFFFF  }
0xc2: {  	(tm) =	ssettm $0x7FFFFFFF  }
0xc3: {  	_ =	shalt  }
tec
execute0_lowered:
.L_overlay_start_1:
0x0: {  	(tag) =	ssettag $0x1  }
0x1: {  	s2 =	rddreg [dreg:$0x0]  }
0x2: {  	s4 =	rddreg [dreg:$0x1];
	s3 =	simm.s32 $0x0  }
0x3: {  	s13 =	simm.s32 $0x8400;
	[smem:$0x7FF] =	sst s3  }
0x4: {  	s14 =	simm.s32 $0x8C00;
	_ =	strace $0x80000047;
	[dreg:$0x4] =	wrdreg s13  }
0x5: {  	s15 =	simm.s32 $0x9400;
	[dreg:$0x5] =	wrdreg s14  }
0x6: {  	s16 =	simm.s32 $0x9C00;
	[dreg:$0x6] =	wrdreg s15  }
0x7: {  	s17 =	simm.s32 $0xA400;
	[dreg:$0x7] =	wrdreg s16  }
0x8: {  	s19 =	simm.s32 $0xAC00;
	[dreg:$0x8] =	wrdreg s17  }
0x9: {  	s20 =	simm.s32 $0xB400;
	[dreg:$0x9] =	wrdreg s19  }
0xa: {  	s0 =	srdreg.scid;
	s21 =	simm.s32 $0xBC00;
	[dreg:$0xa] =	wrdreg s20  }
0xb: {  	s6 =	stileid.u32;
	s22 =	simm.s32 $0xC400;
	[dreg:$0xb] =	wrdreg s21  }
0xc: {  	s23 =	simm.s32 $0xCC00;
	s24 =	simm.s32 $0xD400;
	[dreg:$0xc] =	wrdreg s22  }
0xd: {  	s26 =	simm.s32 $0xE400;
	s7 =	simm.s32 $0xF400;
	[dreg:$0xd] =	wrdreg s23  }
0xe: {  	s8 =	simm.s32 $0xFC00;
	s1 =	smul.u32 $0xE0000, s6;
	[dreg:$0xe] =	wrdreg s24  }
0xf: {  	s18 =	sshll.u32 s6, $0x1;
	s6 =	simm.s32 $0xEC00;
	[dreg:$0xf] =	wrdreg s26  }
0x10: {  	s9 =	simm.s32 $0x10400;
	s10 =	simm.s32 $0x10C00;
	[dreg:$0x10] =	wrdreg s6  }
0x11: {  	s11 =	simm.s32 $0x11400;
	s12 =	simm.s32 $0x11C00;
	[dreg:$0x11] =	wrdreg s7  }
0x12: {  	s28 =	simm.s32 $0x5;
	s29 =	simm.s32 $0x6;
	[dreg:$0x12] =	wrdreg s8  }
0x13: {  	s30 =	simm.s32 $0x7;
	s0 =	sand.u32 $0x1, s0;
	[dreg:$0x13] =	wrdreg s9  }
0x14: {  	s31 =	simm.s32 $0x8;
	s5 =	smul.u32 $0x70000, s0;
	[dreg:$0x14] =	wrdreg s10  }
0x15: {  	s7 =	simm.s32 $0x9;
	s8 =	simm.s32 $0x1C00;
	[dreg:$0x15] =	wrdreg s11  }
0x16: {  	[dreg:$0x16] =	wrdreg s12;
	s13 =	simm.s32 $0x12400;
	s14 =	simm.s32 $0x12C00  }
0x17: {  	s15 =	simm.s32 $0x13400;
	s16 =	simm.s32 $0x14400;
	[dreg:$0x17] =	wrdreg s13  }
0x18: {  	s17 =	simm.s32 $0x14C00;
	s19 =	simm.s32 $0x15C00;
	[dreg:$0x18] =	wrdreg s14  }
0x19: {  	s20 =	simm.s32 $0x16400;
	s21 =	simm.s32 $0x16C00;
	[dreg:$0x19] =	wrdreg s15  }
0x1a: {  	s22 =	simm.s32 $0x17400;
	s23 =	simm.s32 $0x17C00;
	[dreg:$0x1a] =	wrdreg s16  }
0x1b: {  	s24 =	simm.s32 $0x18400;
	s26 =	simm.s32 $0x19400;
	[dreg:$0x1b] =	wrdreg s17  }
0x1c: {  	s1 =	sadd.s32 s1, s4;
	s13 =	simm.s32 $0x4400;
	[dreg:$0x1d] =	wrdreg s19  }
0x1d: {  	s14 =	simm.s32 $0x4C00;
	s15 =	simm.s32 $0x5400;
	[dreg:$0x1e] =	wrdreg s20  }
0x1e: {  	s16 =	simm.s32 $0x5C00;
	s17 =	simm.s32 $0x6400;
	[dreg:$0x1f] =	wrdreg s21  }
0x1f: {  	s19 =	simm.s32 $0x7400;
	s20 =	simm.s32 $0x7C00;
	[smem:$0x7F9] =	sst s22  }
0x20: {  	s21 =	simm.s32 $0x1;
	[smem:$0x7FA] =	sst s23;
	s22 =	simm.s32 $0xDC00  }
0x21: {  	[smem:$0x7FB] =	sst s24;
	s23 =	simm.s32 $0x2;
	s24 =	simm.s32 $0x13C00  }
0x22: {  	[smem:$0x7FD] =	sst s26;
	s26 =	simm.s32 $0x4;
	s1 =	sadd.s32 s5, s1  }
0x23: {  	s5 =	sor.u32 s0, s18;
	s0 =	ssub.s32 $0x2, s0;
	s18 =	simm.s32 $0x15400  }
0x24: {  	s1 =	sadd.s32 $0x18000, s1;
	s5 =	smul.u32 $0x380, s5;
	[dreg:$0x1c] =	wrdreg s18  }
0x25: {  	s25 =	sshrl.u32 s0, $0x1;
	s18 =	simm.s32 $0x6C00;
	[dreg:$0x3] =	wrdreg s1  }
0x26: {  	v2 =	vlaneseq.u32;
	s0 =	ssub.s32 s0, s25;
	s25 =	simm.s32 $0x18C00;
	s1 =	simm.s32 $0x0  }
0x27: {  	vm0 =	vmmov $0xffff;
	v1 =	vshrl.u32 v2, $0x3;
	s4 =	sadd.s32 s5, s4;
	s5 =	sadd.s32 $0x100, s2;
	s6 =	smax.u32 s0, $0x1  }
0x28: {  	v0 =	vand.u32 $0x7, v2;
	v2 =	vor.u32 $0x8, v2;
	v1 =	vmul.u32 $0x8, v1;
	[smem:$0x7FC] =	sst s25;
	s25 =	simm.s32 $0x3;
	s4 =	sadd.s32 $0x11000, s4  }
.LBB2_1:
0x29: {  	[tilespmem:s3], [sflag:$0x9] =	stream.linear.gather [hbm4b:s4+s3], $0x1C00, $0x38;
	[tilespmem:$0x19C00] =	vst v63  }
0x2a: {  	_ =	swait.ge [sflag:s7], $0x1C00  }
0x2b: {  	[sflag:s7] =	ssyncset.done $0x0  }
0x2c: {  	[sflag:s7] =	ssyncadd.s32 $0xFFFFE400  }
0x2d: {  	v3 =	vld [tilespmem:$0x0];
	_ =	sdelay $0x4  }
0x2e: {  	v4 =	vshll.u32 v3, $0x2  }
0x2f: {  	v3 =	vand.u32 $0x7, v3;
	v4 =	vand.u32 $0xFFFFFFE0, v4  }
0x30: {  	v3 =	vor.u32 v3, v4  }
0x31: {  	v4 =	vperm.xlane v3, v0;
	_ =	sdelay $0x1  }
0x32: {  	v4 =	vadd.s32 v1, v4;
	_ =	sdelay $0x1  }
0x33: {  	v3 =	vperm.xlane v3, v2;
	_ =	sdelay $0x1  }
0x34: {  	v3 =	vadd.s32 v1, v3  }
0x35: {  	[tilespmem:s8], [sflag:$0x1] =	stream.indirect_vreg.gather [hbm4b:s2+s3], $0x80, v4, vm0, $0xb8;
	[tilespmem:$0x19C00] =	vst v63  }
0x36: {  	s0 =	simm.s32 $0x2400  }
0x37: {  	[tilespmem:s0], [sflag:$0x1] =	stream.indirect_vreg.gather [hbm4b:s5+s3], $0x80, v4, vm0, $0xb8;
	[tilespmem:$0x19C00] =	vst v63  }
0x38: {  	s10 =	simm.s32 $0x2C00  }
0x39: {  	[tilespmem:s10], [sflag:$0x1] =	stream.indirect_vreg.gather [hbm4b:s2+s3], $0x80, v3, vm0, $0xb8;
	[tilespmem:$0x19C00] =	vst v63  }
0x3a: {  	s11 =	simm.s32 $0x3400  }
0x3b: {  	[tilespmem:s11], [sflag:$0x1] =	stream.indirect_vreg.gather [hbm4b:s5+s3], $0x80, v3, vm0, $0xb8;
	[tilespmem:$0x19C00] =	vst v63  }
0x3c: {  	v3 =	vld [tilespmem:$0x10];
	_ =	sdelay $0x4  }
0x3d: {  	v62 =	vshll.u32 v3, $0x2  }
0x3e: {  	v3 =	vand.u32 $0x7, v3;
	v4 =	vand.u32 $0xFFFFFFE0, v62  }
0x3f: {  	v3 =	vor.u32 v3, v4  }
0x40: {  	v4 =	vperm.xlane v3, v0;
	_ =	sdelay $0x1  }
0x41: {  	v4 =	vadd.s32 v1, v4;
	_ =	sdelay $0x1  }
0x42: {  	v3 =	vperm.xlane v3, v2;
	_ =	sdelay $0x1  }
0x43: {  	s12 =	simm.s32 $0x3C00;
	v3 =	vadd.s32 v1, v3  }
0x44: {  	[tilespmem:s12], [sflag:$0x1] =	stream.indirect_vreg.gather [hbm4b:s2+s3], $0x80, v4, vm0, $0xb8;
	[tilespmem:$0x19C00] =	vst v63  }
0x45: {  	_ = 	snop  }
0x46: {  	[tilespmem:s13], [sflag:$0x1] =	stream.indirect_vreg.gather [hbm4b:s5+s3], $0x80, v4, vm0, $0xb8;
	[tilespmem:$0x19C00] =	vst v63  }
0x47: {  	_ = 	snop  }
0x48: {  	[tilespmem:s14], [sflag:$0x1] =	stream.indirect_vreg.gather [hbm4b:s2+s3], $0x80, v3, vm0, $0xb8;
	[tilespmem:$0x19C00] =	vst v63  }
0x49: {  	_ = 	snop  }
0x4a: {  	[tilespmem:s15], [sflag:$0x1] =	stream.indirect_vreg.gather [hbm4b:s5+s3], $0x80, v3, vm0, $0xb8;
	[tilespmem:$0x19C00] =	vst v63  }
0x4b: {  	v3 =	vld [tilespmem:$0x20];
	_ =	sdelay $0x4  }
0x4c: {  	v63 =	vshll.u32 v3, $0x2  }
0x4d: {  	v3 =	vand.u32 $0x7, v3;
	v4 =	vand.u32 $0xFFFFFFE0, v63  }
0x4e: {  	v3 =	vor.u32 v3, v4  }
0x4f: {  	v4 =	vperm.xlane v3, v0;
	_ =	sdelay $0x1  }
0x50: {  	v4 =	vadd.s32 v1, v4;
	_ =	sdelay $0x1  }
0x51: {  	v3 =	vperm.xlane v3, v2;
	_ =	sdelay $0x1  }
0x52: {  	v3 =	vadd.s32 v1, v3  }
0x53: {  	[tilespmem:s16], [sflag:$0x1] =	stream.indirect_vreg.gather [hbm4b:s2+s3], $0x80, v4, vm0, $0xb8;
	[tilespmem:$0x19C00] =	vst v63  }
0x54: {  	_ = 	snop  }
0x55: {  	[tilespmem:s17], [sflag:$0x1] =	stream.indirect_vreg.gather [hbm4b:s5+s3], $0x80, v4, vm0, $0xb8;
	[tilespmem:$0x19C00] =	vst v63  }
0x56: {  	_ = 	snop  }
0x57: {  	[tilespmem:s18], [sflag:$0x1] =	stream.indirect_vreg.gather [hbm4b:s2+s3], $0x80, v3, vm0, $0xb8;
	[tilespmem:$0x19C00] =	vst v63  }
0x58: {  	s9 =	simm.s32 $0x0;
	s0 =	simm.s32 $0x80  }
0x59: {  	[tilespmem:s19], [sflag:$0x1] =	stream.indirect_vreg.gather [hbm4b:s5+s3], $0x80, v3, vm0, $0xb8;
	[tilespmem:$0x19C00] =	vst v63  }
.LBB2_2:
0x5a: {  	p0 =	seq.s32 s9, $0x0  }
0x5b: {  	s10 =	simm.s32 @!p0 $0x6  }
0x5c: {  	_ =	swait.ge @!p0 [sflag:s10], $0x6000  }
0x5d: {  	[sflag:s10] =	ssyncset.done @!p0 $0x0  }
0x5e: {  	[sflag:s10] =	ssyncadd.s32 @!p0 $0xFFFFA000  }
0x5f: {  	v3 =	vld [tilespmem:s0+$0xFFFFFFB8];
	_ =	sdelay $0x4  }
0x60: {  	v4 =	vshll.u32 v3, $0x2  }
0x61: {  	v3 =	vand.u32 $0x7, v3;
	v4 =	vand.u32 $0xFFFFFFE0, v4  }
0x62: {  	v3 =	vor.u32 v3, v4  }
0x63: {  	v4 =	vperm.xlane v3, v0;
	_ =	sdelay $0x1  }
0x64: {  	v4 =	vadd.s32 v1, v4;
	_ =	sdelay $0x1  }
0x65: {  	v3 =	vperm.xlane v3, v2;
	_ =	sdelay $0x1  }
0x66: {  	v3 =	vadd.s32 v1, v3  }
0x67: {  	[tilespmem:s20], [sflag:$0x2] =	stream.indirect_vreg.gather [hbm4b:s2+s3], $0x80, v4, vm0, $0xb8;
	[tilespmem:$0x19C00] =	vst v63  }
0x68: {  	s12 =	rddreg [dreg:$0x4]  }
0x69: {  	[tilespmem:s12], [sflag:$0x2] =	stream.indirect_vreg.gather [hbm4b:s5+s3], $0x80, v4, vm0, $0xb8;
	[tilespmem:$0x19C00] =	vst v63  }
0x6a: {  	s11 =	rddreg [dreg:$0x5]  }
0x6b: {  	[tilespmem:s11], [sflag:$0x2] =	stream.indirect_vreg.gather [hbm4b:s2+s3], $0x80, v3, vm0, $0xb8;
	[tilespmem:$0x19C00] =	vst v63  }
0x6c: {  	s12 =	rddreg [dreg:$0x6]  }
0x6d: {  	[tilespmem:s12], [sflag:$0x2] =	stream.indirect_vreg.gather [hbm4b:s5+s3], $0x80, v3, vm0, $0xb8;
	[tilespmem:$0x19C00] =	vst v63  }
0x6e: {  	v3 =	vld [tilespmem:s0+$0xFFFFFFC8];
	_ =	sdelay $0x4  }
0x6f: {  	v56 =	vshll.u32 v3, $0x2  }
0x70: {  	v3 =	vand.u32 $0x7, v3;
	v4 =	vand.u32 $0xFFFFFFE0, v56  }
0x71: {  	v3 =	vor.u32 v3, v4  }
0x72: {  	v4 =	vperm.xlane v3, v0;
	_ =	sdelay $0x1  }
0x73: {  	v4 =	vadd.s32 v1, v4;
	_ =	sdelay $0x1  }
0x74: {  	v3 =	vperm.xlane v3, v2;
	_ =	sdelay $0x1  }
0x75: {  	s11 =	rddreg [dreg:$0x7];
	v3 =	vadd.s32 v1, v3  }
0x76: {  	[tilespmem:s11], [sflag:$0x2] =	stream.indirect_vreg.gather [hbm4b:s2+s3], $0x80, v4, vm0, $0xb8;
	[tilespmem:$0x19C00] =	vst v63  }
0x77: {  	s12 =	rddreg [dreg:$0x8]  }
0x78: {  	[tilespmem:s12], [sflag:$0x2] =	stream.indirect_vreg.gather [hbm4b:s5+s3], $0x80, v4, vm0, $0xb8;
	[tilespmem:$0x19C00] =	vst v63  }
0x79: {  	s10 =	rddreg [dreg:$0x9]  }
0x7a: {  	[tilespmem:s10], [sflag:$0x2] =	stream.indirect_vreg.gather [hbm4b:s2+s3], $0x80, v3, vm0, $0xb8;
	[tilespmem:$0x19C00] =	vst v63  }
0x7b: {  	s12 =	rddreg [dreg:$0xa]  }
0x7c: {  	[tilespmem:s12], [sflag:$0x2] =	stream.indirect_vreg.gather [hbm4b:s5+s3], $0x80, v3, vm0, $0xb8;
	[tilespmem:$0x19C00] =	vst v63  }
0x7d: {  	v3 =	vld [tilespmem:s0+$0xFFFFFFD8];
	_ =	sdelay $0x4  }
0x7e: {  	v57 =	vshll.u32 v3, $0x2  }
0x7f: {  	v3 =	vand.u32 $0x7, v3;
	v4 =	vand.u32 $0xFFFFFFE0, v57  }
0x80: {  	v3 =	vor.u32 v3, v4  }
0x81: {  	v4 =	vperm.xlane v3, v0;
	_ =	sdelay $0x1  }
0x82: {  	v4 =	vadd.s32 v1, v4;
	_ =	sdelay $0x1  }
0x83: {  	v3 =	vperm.xlane v3, v2;
	_ =	sdelay $0x1  }
0x84: {  	s11 =	rddreg [dreg:$0xb];
	v3 =	vadd.s32 v1, v3  }
0x85: {  	[tilespmem:s11], [sflag:$0x2] =	stream.indirect_vreg.gather [hbm4b:s2+s3], $0x80, v4, vm0, $0xb8;
	[tilespmem:$0x19C00] =	vst v63  }
0x86: {  	s12 =	rddreg [dreg:$0xc]  }
0x87: {  	[tilespmem:s12], [sflag:$0x2] =	stream.indirect_vreg.gather [hbm4b:s5+s3], $0x80, v4, vm0, $0xb8;
	[tilespmem:$0x19C00] =	vst v63  }
0x88: {  	s10 =	rddreg [dreg:$0xd]  }
0x89: {  	[tilespmem:s10], [sflag:$0x2] =	stream.indirect_vreg.gather [hbm4b:s2+s3], $0x80, v3, vm0, $0xb8;
	[tilespmem:$0x19C00] =	vst v63  }
0x8a: {  	s12 =	rddreg [dreg:$0xe]  }
0x8b: {  	[tilespmem:s12], [sflag:$0x2] =	stream.indirect_vreg.gather [hbm4b:s5+s3], $0x80, v3, vm0, $0xb8;
	[tilespmem:$0x19C00] =	vst v63  }
0x8c: {  	_ =	swait.ge [sflag:s21], $0x6000  }
0x8d: {  	s11 =	rddreg [dreg:$0x3];
	[sflag:s21] =	ssyncset.done $0x0  }
0x8e: {  	[sflag:s21] =	ssyncadd.s32 $0xFFFFA000;
	s10 =	sadd.s32 s9, s11;
	s11 =	simm.s32 @!p0 $0x7  }
0x8f: {  	[hbm4b:s10+s3] =	stream.linear.scatter [tilespmem:s8], [sflag:$0x5], $0x6000, $0x38;
	[tilespmem:$0x19C00] =	vst v63  }
0x90: {  	_ =	swait.ge @!p0 [sflag:s11], $0x6000  }
0x91: {  	[sflag:s11] =	ssyncset.done @!p0 $0x0  }
0x92: {  	[sflag:s11] =	ssyncadd.s32 @!p0 $0xFFFFA000  }
0x93: {  	v3 =	vld [tilespmem:s0+$0xFFFFFFF0];
	_ =	sdelay $0x4  }
0x94: {  	v58 =	vshll.u32 v3, $0x2  }
0x95: {  	v3 =	vand.u32 $0x7, v3;
	v4 =	vand.u32 $0xFFFFFFE0, v58  }
0x96: {  	v3 =	vor.u32 v3, v4  }
0x97: {  	v4 =	vperm.xlane v3, v0;
	_ =	sdelay $0x1  }
0x98: {  	v4 =	vadd.s32 v1, v4;
	_ =	sdelay $0x1  }
0x99: {  	v3 =	vperm.xlane v3, v2;
	_ =	sdelay $0x1  }
0x9a: {  	v3 =	vadd.s32 v1, v3  }
0x9b: {  	[tilespmem:s22], [sflag:$0x3] =	stream.indirect_vreg.gather [hbm4b:s2+s3], $0x80, v4, vm0, $0xb8;
	[tilespmem:$0x19C00] =	vst v63  }
0x9c: {  	s11 =	rddreg [dreg:$0xf]  }
0x9d: {  	[tilespmem:s11], [sflag:$0x3] =	stream.indirect_vreg.gather [hbm4b:s5+s3], $0x80, v4, vm0, $0xb8;
	[tilespmem:$0x19C00] =	vst v63  }
0x9e: {  	s12 =	rddreg [dreg:$0x10]  }
0x9f: {  	[tilespmem:s12], [sflag:$0x3] =	stream.indirect_vreg.gather [hbm4b:s2+s3], $0x80, v3, vm0, $0xb8;
	[tilespmem:$0x19C00] =	vst v63  }
0xa0: {  	s11 =	rddreg [dreg:$0x11]  }
0xa1: {  	[tilespmem:s11], [sflag:$0x3] =	stream.indirect_vreg.gather [hbm4b:s5+s3], $0x80, v3, vm0, $0xb8;
	[tilespmem:$0x19C00] =	vst v63  }
0xa2: {  	v3 =	vld [tilespmem:s0+$0x0];
	_ =	sdelay $0x4  }
0xa3: {  	v59 =	vshll.u32 v3, $0x2  }
0xa4: {  	v3 =	vand.u32 $0x7, v3;
	v4 =	vand.u32 $0xFFFFFFE0, v59  }
0xa5: {  	v3 =	vor.u32 v3, v4  }
0xa6: {  	v4 =	vperm.xlane v3, v0;
	_ =	sdelay $0x1  }
0xa7: {  	v4 =	vadd.s32 v1, v4;
	_ =	sdelay $0x1  }
0xa8: {  	v3 =	vperm.xlane v3, v2;
	_ =	sdelay $0x1  }
0xa9: {  	s11 =	rddreg [dreg:$0x12];
	v3 =	vadd.s32 v1, v3  }
0xaa: {  	[tilespmem:s11], [sflag:$0x3] =	stream.indirect_vreg.gather [hbm4b:s2+s3], $0x80, v4, vm0, $0xb8;
	[tilespmem:$0x19C00] =	vst v63  }
0xab: {  	s12 =	rddreg [dreg:$0x13]  }
0xac: {  	[tilespmem:s12], [sflag:$0x3] =	stream.indirect_vreg.gather [hbm4b:s5+s3], $0x80, v4, vm0, $0xb8;
	[tilespmem:$0x19C00] =	vst v63  }
0xad: {  	s11 =	rddreg [dreg:$0x14]  }
0xae: {  	[tilespmem:s11], [sflag:$0x3] =	stream.indirect_vreg.gather [hbm4b:s2+s3], $0x80, v3, vm0, $0xb8;
	[tilespmem:$0x19C00] =	vst v63  }
0xaf: {  	s12 =	rddreg [dreg:$0x15]  }
0xb0: {  	[tilespmem:s12], [sflag:$0x3] =	stream.indirect_vreg.gather [hbm4b:s5+s3], $0x80, v3, vm0, $0xb8;
	[tilespmem:$0x19C00] =	vst v63  }
0xb1: {  	v3 =	vld [tilespmem:s0+$0x10];
	_ =	sdelay $0x4  }
0xb2: {  	v60 =	vshll.u32 v3, $0x2  }
0xb3: {  	v3 =	vand.u32 $0x7, v3;
	v4 =	vand.u32 $0xFFFFFFE0, v60  }
0xb4: {  	v3 =	vor.u32 v3, v4  }
0xb5: {  	v4 =	vperm.xlane v3, v0;
	_ =	sdelay $0x1  }
0xb6: {  	v4 =	vadd.s32 v1, v4;
	_ =	sdelay $0x1  }
0xb7: {  	v3 =	vperm.xlane v3, v2;
	_ =	sdelay $0x1  }
0xb8: {  	s11 =	rddreg [dreg:$0x16];
	v3 =	vadd.s32 v1, v3  }
0xb9: {  	[tilespmem:s11], [sflag:$0x3] =	stream.indirect_vreg.gather [hbm4b:s2+s3], $0x80, v4, vm0, $0xb8;
	[tilespmem:$0x19C00] =	vst v63  }
0xba: {  	s12 =	rddreg [dreg:$0x17]  }
0xbb: {  	[tilespmem:s12], [sflag:$0x3] =	stream.indirect_vreg.gather [hbm4b:s5+s3], $0x80, v4, vm0, $0xb8;
	[tilespmem:$0x19C00] =	vst v63  }
0xbc: {  	s11 =	rddreg [dreg:$0x18]  }
0xbd: {  	[tilespmem:s11], [sflag:$0x3] =	stream.indirect_vreg.gather [hbm4b:s2+s3], $0x80, v3, vm0, $0xb8;
	[tilespmem:$0x19C00] =	vst v63  }
0xbe: {  	s12 =	rddreg [dreg:$0x19]  }
0xbf: {  	[tilespmem:s12], [sflag:$0x3] =	stream.indirect_vreg.gather [hbm4b:s5+s3], $0x80, v3, vm0, $0xb8;
	[tilespmem:$0x19C00] =	vst v63  }
0xc0: {  	_ =	swait.ge [sflag:s23], $0x6000  }
0xc1: {  	[sflag:s23] =	ssyncset.done $0x0  }
0xc2: {  	s11 =	simm.s32 @!p0 $0x8;
	s12 =	sadd.s32 $0xE00, s10;
	[sflag:s23] =	ssyncadd.s32 $0xFFFFA000  }
0xc3: {  	[hbm4b:s12+s3] =	stream.linear.scatter [tilespmem:s20], [sflag:$0x6], $0x6000, $0x38;
	[tilespmem:$0x19C00] =	vst v63  }
0xc4: {  	_ =	swait.ge @!p0 [sflag:s11], $0x6000  }
0xc5: {  	[sflag:s11] =	ssyncset.done @!p0 $0x0  }
0xc6: {  	[sflag:s11] =	ssyncadd.s32 @!p0 $0xFFFFA000  }
0xc7: {  	v3 =	vld [tilespmem:s0+$0x28];
	_ =	sdelay $0x4  }
0xc8: {  	v61 =	vshll.u32 v3, $0x2  }
0xc9: {  	v3 =	vand.u32 $0x7, v3;
	v4 =	vand.u32 $0xFFFFFFE0, v61  }
0xca: {  	v3 =	vor.u32 v3, v4  }
0xcb: {  	v4 =	vperm.xlane v3, v0;
	_ =	sdelay $0x1  }
0xcc: {  	v4 =	vadd.s32 v1, v4;
	_ =	sdelay $0x1  }
0xcd: {  	v3 =	vperm.xlane v3, v2;
	_ =	sdelay $0x1  }
0xce: {  	v3 =	vadd.s32 v1, v3  }
0xcf: {  	[tilespmem:s24], [sflag:$0x4] =	stream.indirect_vreg.gather [hbm4b:s2+s3], $0x80, v4, vm0, $0xb8;
	[tilespmem:$0x19C00] =	vst v63  }
0xd0: {  	s11 =	rddreg [dreg:$0x1a]  }
0xd1: {  	[tilespmem:s11], [sflag:$0x4] =	stream.indirect_vreg.gather [hbm4b:s5+s3], $0x80, v4, vm0, $0xb8;
	[tilespmem:$0x19C00] =	vst v63  }
0xd2: {  	s12 =	rddreg [dreg:$0x1b]  }
0xd3: {  	[tilespmem:s12], [sflag:$0x4] =	stream.indirect_vreg.gather [hbm4b:s2+s3], $0x80, v3, vm0, $0xb8;
	[tilespmem:$0x19C00] =	vst v63  }
0xd4: {  	s11 =	rddreg [dreg:$0x1c]  }
0xd5: {  	[tilespmem:s11], [sflag:$0x4] =	stream.indirect_vreg.gather [hbm4b:s5+s3], $0x80, v3, vm0, $0xb8;
	[tilespmem:$0x19C00] =	vst v63  }
0xd6: {  	v3 =	vld [tilespmem:s0+$0x38];
	_ =	sdelay $0x4  }
0xd7: {  	v62 =	vshll.u32 v3, $0x2  }
0xd8: {  	v3 =	vand.u32 $0x7, v3;
	v4 =	vand.u32 $0xFFFFFFE0, v62  }
0xd9: {  	v3 =	vor.u32 v3, v4  }
0xda: {  	v4 =	vperm.xlane v3, v0;
	_ =	sdelay $0x1  }
0xdb: {  	v4 =	vadd.s32 v1, v4;
	_ =	sdelay $0x1  }
0xdc: {  	v3 =	vperm.xlane v3, v2  }
0xdd: {  	s12 =	rddreg [dreg:$0x1e]  }
0xde: {  	s11 =	rddreg [dreg:$0x1d];
	v3 =	vadd.s32 v1, v3  }
0xdf: {  	[tilespmem:s11], [sflag:$0x4] =	stream.indirect_vreg.gather [hbm4b:s2+s3], $0x80, v4, vm0, $0xb8;
	[tilespmem:$0x19C00] =	vst v63  }
0xe0: {  	s11 =	rddreg [dreg:$0x1f]  }
0xe1: {  	[tilespmem:s12], [sflag:$0x4] =	stream.indirect_vreg.gather [hbm4b:s5+s3], $0x80, v4, vm0, $0xb8;
	[tilespmem:$0x19C00] =	vst v63  }
0xe2: {  	s12 =	sld [smem:$0x7F9]  }
0xe3: {  	[tilespmem:s11], [sflag:$0x4] =	stream.indirect_vreg.gather [hbm4b:s2+s3], $0x80, v3, vm0, $0xb8;
	[tilespmem:$0x19C00] =	vst v63  }
0xe4: {  	_ = 	snop  }
0xe5: {  	[tilespmem:s12], [sflag:$0x4] =	stream.indirect_vreg.gather [hbm4b:s5+s3], $0x80, v3, vm0, $0xb8;
	[tilespmem:$0x19C00] =	vst v63  }
0xe6: {  	v3 =	vld [tilespmem:s0+$0x48];
	_ =	sdelay $0x4  }
0xe7: {  	v63 =	vshll.u32 v3, $0x2  }
0xe8: {  	v3 =	vand.u32 $0x7, v3;
	v4 =	vand.u32 $0xFFFFFFE0, v63  }
0xe9: {  	v3 =	vor.u32 v3, v4  }
0xea: {  	v4 =	vperm.xlane v3, v0;
	_ =	sdelay $0x1  }
0xeb: {  	v4 =	vadd.s32 v1, v4;
	_ =	sdelay $0x1  }
0xec: {  	s11 =	sld [smem:$0x7FA];
	v3 =	vperm.xlane v3, v2;
	_ =	sdelay $0x1  }
0xed: {  	s12 =	sld [smem:$0x7FB];
	v3 =	vadd.s32 v1, v3  }
0xee: {  	[tilespmem:s11], [sflag:$0x4] =	stream.indirect_vreg.gather [hbm4b:s2+s3], $0x80, v4, vm0, $0xb8;
	[tilespmem:$0x19C00] =	vst v63  }
0xef: {  	s11 =	sld [smem:$0x7FC]  }
0xf0: {  	[tilespmem:s12], [sflag:$0x4] =	stream.indirect_vreg.gather [hbm4b:s5+s3], $0x80, v4, vm0, $0xb8;
	[tilespmem:$0x19C00] =	vst v63  }
0xf1: {  	s12 =	sld [smem:$0x7FD]  }
0xf2: {  	[tilespmem:s11], [sflag:$0x4] =	stream.indirect_vreg.gather [hbm4b:s2+s3], $0x80, v3, vm0, $0xb8;
	[tilespmem:$0x19C00] =	vst v63  }
0xf3: {  	_ = 	snop  }
0xf4: {  	[tilespmem:s12], [sflag:$0x4] =	stream.indirect_vreg.gather [hbm4b:s5+s3], $0x80, v3, vm0, $0xb8;
	[tilespmem:$0x19C00] =	vst v63  }
0xf5: {  	_ =	swait.ge [sflag:s25], $0x6000  }
0xf6: {  	p0 =	seq.s32 s9, $0x6C800;
	[sflag:s25] =	ssyncset.done $0x0  }
0xf7: {  	s11 =	simm.s32 @!p0 $0x5;
	s12 =	sadd.s32 $0x1C00, s10;
	[sflag:s25] =	ssyncadd.s32 $0xFFFFA000  }
0xf8: {  	[hbm4b:s12+s3] =	stream.linear.scatter [tilespmem:s22], [sflag:$0x7], $0x6000, $0x38;
	[tilespmem:$0x19C00] =	vst v63  }
0xf9: {  	_ =	swait.ge @!p0 [sflag:s11], $0x6000  }
0xfa: {  	[sflag:s11] =	ssyncset.done @!p0 $0x0  }
0xfb: {  	[sflag:s11] =	ssyncadd.s32 @!p0 $0xFFFFA000  }
0xfc: {  	v3 =	vld @!p0 [tilespmem:s0+$0x60];
	_ =	sdelay $0x4  }
0xfd: {  	v4 =	vshll.u32 @!p0 v3, $0x2  }
0xfe: {  	v5 =	vlaneseq.u32 @!p0;
	v3 =	vand.u32 @!p0 $0x7, v3;
	v4 =	vand.u32 @!p0 $0xFFFFFFE0, v4  }
0xff: {  	v6 =	vshrl.u32 @!p0 v5, $0x3;
	v3 =	vor.u32 @!p0 v3, v4;
	v4 =	vand.u32 @!p0 $0x7, v5  }
0x100: {  	v6 =	vmul.u32 @!p0 $0x8, v6;
	v7 =	vperm.xlane @!p0 v3, v4;
	_ =	sdelay $0x1  }
0x101: {  	v7 =	vadd.s32 @!p0 v6, v7  }
0x102: {  	v5 =	vor.u32 @!p0 $0x8, v5  }
0x103: {  	v3 =	vperm.xlane @!p0 v3, v5;
	_ =	sdelay $0x1  }
0x104: {  	vm1 =	vmmov @!p0 $0xffff;
	s12 =	simm.s32 @!p0 $0x1C00;
	s11 =	simm.s32 @!p0 $0x0;
	v3 =	vadd.s32 @!p0 v6, v3  }
0x105: {  	[tilespmem:s12], [sflag:$0x1] =	stream.indirect_vreg.gather @!p0 [hbm4b:s2+s11], $0x80, v7, vm1, $0xb8;
	[tilespmem:$0x19C00] =	vst v63  }
0x106: {  	s12 =	simm.s32 @!p0 $0x2400  }
0x107: {  	[tilespmem:s12], [sflag:$0x1] =	stream.indirect_vreg.gather @!p0 [hbm4b:s5+s11], $0x80, v7, vm1, $0xb8;
	[tilespmem:$0x19C00] =	vst v63  }
0x108: {  	s12 =	simm.s32 @!p0 $0x2C00  }
0x109: {  	[tilespmem:s12], [sflag:$0x1] =	stream.indirect_vreg.gather @!p0 [hbm4b:s2+s11], $0x80, v3, vm1, $0xb8;
	[tilespmem:$0x19C00] =	vst v63  }
0x10a: {  	s12 =	simm.s32 @!p0 $0x3400  }
0x10b: {  	[tilespmem:s12], [sflag:$0x1] =	stream.indirect_vreg.gather @!p0 [hbm4b:s5+s11], $0x80, v3, vm1, $0xb8;
	[tilespmem:$0x19C00] =	vst v63  }
0x10c: {  	v3 =	vld @!p0 [tilespmem:s0+$0x70];
	_ =	sdelay $0x4  }
0x10d: {  	v7 =	vshll.u32 @!p0 v3, $0x2  }
0x10e: {  	v3 =	vand.u32 @!p0 $0x7, v3;
	v7 =	vand.u32 @!p0 $0xFFFFFFE0, v7  }
0x10f: {  	v3 =	vor.u32 @!p0 v3, v7  }
0x110: {  	v7 =	vperm.xlane @!p0 v3, v4;
	_ =	sdelay $0x1  }
0x111: {  	v7 =	vadd.s32 @!p0 v6, v7;
	_ =	sdelay $0x1  }
0x112: {  	v3 =	vperm.xlane @!p0 v3, v5;
	_ =	sdelay $0x1  }
0x113: {  	s12 =	simm.s32 @!p0 $0x3C00;
	v3 =	vadd.s32 @!p0 v6, v3  }
0x114: {  	[tilespmem:s12], [sflag:$0x1] =	stream.indirect_vreg.gather @!p0 [hbm4b:s2+s11], $0x80, v7, vm1, $0xb8;
	[tilespmem:$0x19C00] =	vst v63  }
0x115: {  	s12 =	simm.s32 @!p0 $0x4400  }
0x116: {  	[tilespmem:s12], [sflag:$0x1] =	stream.indirect_vreg.gather @!p0 [hbm4b:s5+s11], $0x80, v7, vm1, $0xb8;
	[tilespmem:$0x19C00] =	vst v63  }
0x117: {  	s12 =	simm.s32 @!p0 $0x4C00  }
0x118: {  	[tilespmem:s12], [sflag:$0x1] =	stream.indirect_vreg.gather @!p0 [hbm4b:s2+s11], $0x80, v3, vm1, $0xb8;
	[tilespmem:$0x19C00] =	vst v63  }
0x119: {  	s12 =	simm.s32 @!p0 $0x5400  }
0x11a: {  	[tilespmem:s12], [sflag:$0x1] =	stream.indirect_vreg.gather @!p0 [hbm4b:s5+s11], $0x80, v3, vm1, $0xb8;
	[tilespmem:$0x19C00] =	vst v63  }
0x11b: {  	v3 =	vld @!p0 [tilespmem:s0+$0x80];
	_ =	sdelay $0x4  }
0x11c: {  	v7 =	vshll.u32 @!p0 v3, $0x2  }
0x11d: {  	v3 =	vand.u32 @!p0 $0x7, v3;
	v7 =	vand.u32 @!p0 $0xFFFFFFE0, v7  }
0x11e: {  	v3 =	vor.u32 @!p0 v3, v7  }
0x11f: {  	v4 =	vperm.xlane @!p0 v3, v4;
	_ =	sdelay $0x1  }
0x120: {  	v4 =	vadd.s32 @!p0 v6, v4;
	_ =	sdelay $0x1  }
0x121: {  	v3 =	vperm.xlane @!p0 v3, v5;
	_ =	sdelay $0x1  }
0x122: {  	s12 =	simm.s32 @!p0 $0x5C00;
	v3 =	vadd.s32 @!p0 v6, v3  }
0x123: {  	[tilespmem:s12], [sflag:$0x1] =	stream.indirect_vreg.gather @!p0 [hbm4b:s2+s11], $0x80, v4, vm1, $0xb8;
	[tilespmem:$0x19C00] =	vst v63  }
0x124: {  	s12 =	simm.s32 @!p0 $0x6400  }
0x125: {  	[tilespmem:s12], [sflag:$0x1] =	stream.indirect_vreg.gather @!p0 [hbm4b:s5+s11], $0x80, v4, vm1, $0xb8;
	[tilespmem:$0x19C00] =	vst v63  }
0x126: {  	s12 =	simm.s32 @!p0 $0x6C00  }
0x127: {  	[tilespmem:s12], [sflag:$0x1] =	stream.indirect_vreg.gather @!p0 [hbm4b:s2+s11], $0x80, v3, vm1, $0xb8;
	[tilespmem:$0x19C00] =	vst v63  }
0x128: {  	s9 =	sadd.s32 $0x3800, s9;
	s12 =	simm.s32 @!p0 $0x7400  }
0x129: {  	[tilespmem:s12], [sflag:$0x1] =	stream.indirect_vreg.gather @!p0 [hbm4b:s5+s11], $0x80, v3, vm1, $0xb8;
	[tilespmem:$0x19C00] =	vst v63  }
0x12a: {  	p0 =	sne.s32 s9, $0x70000  }
.Ltmp0:
0x12b: {  	_ = 	snop;
	(pc) =	sbr.rel @p0 .LBB2_2-.Ltmp0, $4  }
0x12c: {  	_ =	swait.ge [sflag:s26], $0x6000  }
0x12d: {  	[sflag:s26] =	ssyncset.done $0x0  }
0x12e: {  	s10 =	sadd.s32 $0x2A00, s10;
	s0 =	sadd.s32 $0xE0, s0;
	[sflag:s26] =	ssyncadd.s32 $0xFFFFA000  }
0x12f: {  	[hbm4b:s10+s3] =	stream.linear.scatter [tilespmem:s24], [sflag:$0x8], $0x6000, $0x38;
	[tilespmem:$0x19C00] =	vst v63  }
0x130: {  	_ =	swait.ge [sflag:s28], $0x6000  }
0x131: {  	[sflag:s28] =	ssyncset.done $0x0  }
0x132: {  	[sflag:s28] =	ssyncadd.s32 $0xFFFFA000  }
0x133: {  	_ =	swait.ge [sflag:s29], $0x6000  }
0x134: {  	[sflag:s29] =	ssyncset.done $0x0  }
0x135: {  	s1 =	sadd.s32 $0x1, s1;
	[sflag:s29] =	ssyncadd.s32 $0xFFFFA000  }
0x136: {  	p0 =	sne.s32 s1, s6;
	_ =	swait.ge [sflag:s30], $0x6000  }
.Ltmp1:
0x137: {  	[sflag:s30] =	ssyncset.done $0x0;
	(pc) =	sbr.rel @p0 .LBB2_1-.Ltmp1, $4  }
0x138: {  	[sflag:s30] =	ssyncadd.s32 $0xFFFFA000  }
0x139: {  	_ =	swait.ge [sflag:s31], $0x6000  }
0x13a: {  	[sflag:s31] =	ssyncset.done $0x0  }
0x13b: {  	[sflag:s31] =	ssyncadd.s32 $0xFFFFA000  }
0x13c: {  	_ =	sfence.sel $0x180000  }
0x13d: {  	[bflag:$0x0] =	sbarrier.arrive $0xFFFF  }
0x13e: {  	_ =	strace $0x90000047  }
0x13f: {  	s0 =	stileid.u32;
	[bflag:$0x2] =	sbarrier.arrive $0xFFFF  }
0x140: {  	p0 =	sne.s32 s0, $0x0;
	s0 =	rddreg [dreg:$0x2]  }
0x141: {  	s0 =	sadd.s32 @!p0 $0x100000, s0  }
0x142: {  	[sflag:s0] =	ssyncadd.tile.s32 @!p0 $0x1;
	_ =	shalt  }
.Lfunc_end2:
_tile_overlayer_lowered:
.L_overlay_start_2:
0x143: {  	(tag) =	ssettag $0x2  }
0x144: {  	s0 =	rddreg [dreg:$0x0];
	s2 =	stileid.u32  }
0x145: {  	s1 =	rddreg [dreg:$0x1];
	p0 =	sne.s32 s2, $0x0  }
0x146: {  	s3 =	rddreg [dreg:$0x2];
	[bflag:$0x3] =	sbarrier.arrive $0xFFFF;
	s2 =	simm.s32 @!p0 $0x1C09  }
0x147: {  	[timem:s3], [sflag:s2] =	dma.local @!p0 [hbm:s0], s1  }
0x148: {  	s0 =	simm.s32 @!p0 $0x9  }
0x149: {  	_ =	swait.ge @!p0 [sflag:s0], s1  }
0x14a: {  	s1 =	ssub.s32 @!p0 $0x0, s1;
	[sflag:s0] =	ssyncset.done @!p0 $0x0  }
0x14b: {  	[sflag:s0] =	ssyncadd.s32 @!p0 s1  }
0x14c: {  	[bflag:$0x3] =	sbarrier.arrive $0xFFFF  }
0x14d: {  	_ =	shalt  }

</sc_bundles>
